<compile_context>
chip_gen: v7x
topology: tpu7x:2x2x1
jax: 0.10.2.dev20260603
libtpu: 0.0.44.dev20260713+nightly
codegen_flags: <defaults>
</compile_context>

<pallas_src>
import functools

import jax
import jax.numpy as jnp
from jax import lax
from jax.experimental import pallas as pl
from jax.experimental.pallas import tpu as pltpu
from jax.experimental.pallas import tpu_sc as plsc

N = 10000
D = 128
H = 128
OUT = 64
E = 320000

NC = 2
NS = 16
NW = NC * NS
EPW = E // NW
CHUNK = 80
NCHUNK = EPW // CHUNK
NP = 10240
RPT = NP // NS
ZROWS = 128

_mesh = plsc.VectorSubcoreMesh(
    core_axis_name="c", subcore_axis_name="s", num_cores=NC, num_subcores=NS)


def _zero_2d(buf, nrows, width):
    def body(i, carry):
        for j in range(width // 16):
            buf[i, pl.ds(j * 16, 16)] = jnp.zeros((16,), jnp.float32)
        return carry
    lax.fori_loop(0, nrows, body, 0)


def _zero_1d(buf, n):
    def body(i, carry):
        buf[pl.ds(i * 16, 16)] = jnp.zeros((16,), jnp.float32)
        return carry
    lax.fori_loop(0, n // 16, body, 0)


@functools.partial(
    pl.kernel,
    out_type=(jax.ShapeDtypeStruct((NC * NP,), jnp.float32),
              jax.ShapeDtypeStruct((NC * NP,), jnp.float32)),
    mesh=_mesh,
    scratch_types=[
        pltpu.VMEM((CHUNK,), jnp.int32),
        pltpu.VMEM((CHUNK,), jnp.int32),
        pltpu.VMEM((CHUNK,), jnp.float32),
        pltpu.VMEM((RPT,), jnp.float32),
        pltpu.VMEM_SHARED((NP,), jnp.float32),
        pltpu.VMEM_SHARED((NP,), jnp.float32),
    ],
)
def _sc_degree(src_hbm, dst_hbm, degO_hbm, degI_hbm,
               sidx, didx, onesb, zb, accO, accI):
    c = lax.axis_index("c")
    s = lax.axis_index("s")
    wid = s * NC + c

    _zero_1d(zb, RPT)
    _zero_1d(onesb, CHUNK)

    def ones_body(i, carry):
        onesb[pl.ds(i * 16, 16)] = jnp.full((16,), 1.0, jnp.float32)
        return carry
    lax.fori_loop(0, CHUNK // 16, ones_body, 0)

    pltpu.sync_copy(zb, accO.at[pl.ds(s * RPT, RPT)])
    pltpu.sync_copy(zb, accI.at[pl.ds(s * RPT, RPT)])
    plsc.subcore_barrier()

    def chunk_body(j, carry):
        eoff = pl.multiple_of(wid * EPW + j * CHUNK, 8)
        pltpu.sync_copy(src_hbm.at[pl.ds(eoff, CHUNK)], sidx)
        pltpu.sync_copy(dst_hbm.at[pl.ds(eoff, CHUNK)], didx)
        pltpu.sync_copy(onesb, accO.at[sidx], add=True)
        pltpu.sync_copy(onesb, accI.at[didx], add=True)
        return carry
    lax.fori_loop(0, NCHUNK, chunk_body, 0)

    plsc.subcore_barrier()
    pltpu.sync_copy(accO.at[pl.ds(s * RPT, RPT)],
                    degO_hbm.at[pl.ds(c * NP + s * RPT, RPT)])
    pltpu.sync_copy(accI.at[pl.ds(s * RPT, RPT)],
                    degI_hbm.at[pl.ds(c * NP + s * RPT, RPT)])


@functools.partial(
    pl.kernel,
    out_type=(jax.ShapeDtypeStruct((NC * NP, D), jnp.float32),
              jax.ShapeDtypeStruct((NC * NP,), jnp.float32)),
    mesh=_mesh,
    scratch_types=[
        pltpu.VMEM((CHUNK,), jnp.int32),
        pltpu.VMEM((CHUNK,), jnp.int32),
        pltpu.VMEM((CHUNK, D), jnp.float32),
        pltpu.VMEM((CHUNK,), jnp.float32),
        pltpu.VMEM((ZROWS, D), jnp.float32),
        pltpu.VMEM_SHARED((NP, D), jnp.float32),
        pltpu.VMEM_SHARED((NP,), jnp.float32),
        pltpu.SemaphoreType.DMA,
        pltpu.SemaphoreType.DMA,
    ],
)
def _sc_pass1(xt_hbm, w_hbm, src_hbm, dst_hbm, px_hbm, ps_hbm,
              sidx, didx, xrows, wbuf, zbuf, accx, accs, sem1, sem2):
    c = lax.axis_index("c")
    s = lax.axis_index("s")
    wid = s * NC + c

    _zero_2d(zbuf, ZROWS, D)
    _zero_1d(wbuf, CHUNK)
    for k in range(RPT // ZROWS):
        pltpu.sync_copy(zbuf, accx.at[pl.ds(s * RPT + k * ZROWS, ZROWS)])
    for k in range(RPT // CHUNK):
        pltpu.sync_copy(wbuf, accs.at[pl.ds(s * RPT + k * CHUNK, CHUNK)])
    plsc.subcore_barrier()

    def chunk_body(j, carry):
        eoff = pl.multiple_of(wid * EPW + j * CHUNK, 8)
        pltpu.sync_copy(src_hbm.at[pl.ds(eoff, CHUNK)], sidx)
        pltpu.sync_copy(dst_hbm.at[pl.ds(eoff, CHUNK)], didx)
        g1 = pltpu.async_copy(xt_hbm.at[sidx], xrows, sem1)
        g2 = pltpu.async_copy(w_hbm.at[sidx], wbuf, sem2)
        g1.wait()
        g2.wait()
        pltpu.sync_copy(xrows, accx.at[didx], add=True)
        pltpu.sync_copy(wbuf, accs.at[didx], add=True)
        return carry
    lax.fori_loop(0, NCHUNK, chunk_body, 0)

    plsc.subcore_barrier()
    for k in range(RPT // ZROWS):
        pltpu.sync_copy(accx.at[pl.ds(s * RPT + k * ZROWS, ZROWS)],
                        px_hbm.at[pl.ds(c * NP + s * RPT + k * ZROWS, ZROWS)])
    pltpu.sync_copy(accs.at[pl.ds(s * RPT, RPT)],
                    ps_hbm.at[pl.ds(c * NP + s * RPT, RPT)])


@functools.partial(
    pl.kernel,
    out_type=jax.ShapeDtypeStruct((NC * NP, D), jnp.float32),
    mesh=_mesh,
    scratch_types=[
        pltpu.VMEM((CHUNK,), jnp.int32),
        pltpu.VMEM((CHUNK,), jnp.int32),
        pltpu.VMEM((CHUNK, D), jnp.float32),
        pltpu.VMEM((ZROWS, D), jnp.float32),
        pltpu.VMEM_SHARED((NP, D), jnp.float32),
        pltpu.SemaphoreType.DMA,
    ],
)
def _sc_pass2(zt_hbm, src_hbm, dst_hbm, pz_hbm,
              sidx, didx, zrows, zbuf, accz, sem1):
    c = lax.axis_index("c")
    s = lax.axis_index("s")
    wid = s * NC + c

    _zero_2d(zbuf, ZROWS, D)
    for k in range(RPT // ZROWS):
        pltpu.sync_copy(zbuf, accz.at[pl.ds(s * RPT + k * ZROWS, ZROWS)])
    plsc.subcore_barrier()

    def chunk_body(j, carry):
        eoff = pl.multiple_of(wid * EPW + j * CHUNK, 8)
        pltpu.sync_copy(src_hbm.at[pl.ds(eoff, CHUNK)], sidx)
        pltpu.sync_copy(dst_hbm.at[pl.ds(eoff, CHUNK)], didx)
        pltpu.async_copy(zt_hbm.at[sidx], zrows, sem1).wait()
        pltpu.sync_copy(zrows, accz.at[didx], add=True)
        return carry
    lax.fori_loop(0, NCHUNK, chunk_body, 0)

    plsc.subcore_barrier()
    for k in range(RPT // ZROWS):
        pltpu.sync_copy(accz.at[pl.ds(s * RPT + k * ZROWS, ZROWS)],
                        pz_hbm.at[pl.ds(c * NP + s * RPT + k * ZROWS, ZROWS)])


_BLK = 1000
_NBLK = N // _BLK


def _tc_prep_body(degO0_ref, degO1_ref, x_ref, xt_ref, w_ref):
    deg = degO0_ref[...] + degO1_ref[...]
    inv = jnp.where(deg > 0.0, 1.0 / jnp.sqrt(deg), 0.0)
    xt_ref[...] = x_ref[...] * inv
    w_ref[...] = inv


def _tc_prep(degO0, degO1, x):
    return pl.pallas_call(
        _tc_prep_body,
        grid=(_NBLK,),
        in_specs=[
            pl.BlockSpec((_BLK, 1), lambda i: (i, 0)),
            pl.BlockSpec((_BLK, 1), lambda i: (i, 0)),
            pl.BlockSpec((_BLK, D), lambda i: (i, 0)),
        ],
        out_specs=[
            pl.BlockSpec((_BLK, D), lambda i: (i, 0)),
            pl.BlockSpec((_BLK, 1), lambda i: (i, 0)),
        ],
        out_shape=[
            jax.ShapeDtypeStruct((N, D), jnp.float32),
            jax.ShapeDtypeStruct((N, 1), jnp.float32),
        ],
    )(degO0, degO1, x)


def _tc_dense_body(px0_ref, px1_ref, ps0_ref, ps1_ref,
                   degI0_ref, degI1_ref, w_ref,
                   Wt1_ref, Wp1_ref, bt1_ref, bp1_ref,
                   Wt2_ref, Wp2_ref, bd2_ref, zt_ref):
    aggx = px0_ref[...] + px1_ref[...]
    din = degI0_ref[...] + degI1_ref[...]
    dii = jnp.where(din > 0.0, 1.0 / jnp.sqrt(din), 0.0)
    xa = aggx * dii
    ones_a = (ps0_ref[...] + ps1_ref[...]) * dii
    ht = jnp.maximum(
        jnp.dot(xa, Wt1_ref[...], preferred_element_type=jnp.float32)
        + ones_a * bt1_ref[...], 0.0)
    hp = jnp.maximum(
        jnp.dot(xa, Wp1_ref[...], preferred_element_type=jnp.float32)
        + ones_a * bp1_ref[...], 0.0)
    z = (jnp.dot(ht, Wt2_ref[...], preferred_element_type=jnp.float32)
         - jnp.dot(hp, Wp2_ref[...], preferred_element_type=jnp.float32)
         + bd2_ref[...])
    zz = z * w_ref[...]
    zt_ref[...] = jnp.concatenate(
        [zz, jnp.zeros((_BLK, D - OUT), jnp.float32)], axis=1)


def _tc_dense(px0, px1, ps0, ps1, degI0, degI1, w,
              Wt1, Wp1, bt1, bp1, Wt2, Wp2, bd2):
    full = lambda a, b: pl.BlockSpec((a, b), lambda i: (0, 0))
    col = pl.BlockSpec((_BLK, 1), lambda i: (i, 0))
    return pl.pallas_call(
        _tc_dense_body,
        grid=(_NBLK,),
        in_specs=[
            pl.BlockSpec((_BLK, D), lambda i: (i, 0)),
            pl.BlockSpec((_BLK, D), lambda i: (i, 0)),
            col, col, col, col, col,
            full(D, H), full(D, H), full(1, H), full(1, H),
            full(H, OUT), full(H, OUT), full(1, OUT),
        ],
        out_specs=pl.BlockSpec((_BLK, D), lambda i: (i, 0)),
        out_shape=jax.ShapeDtypeStruct((N, D), jnp.float32),
    )(px0, px1, ps0, ps1, degI0, degI1, w,
      Wt1, Wp1, bt1, bp1, Wt2, Wp2, bd2)


def _tc_loss_body(pz0_ref, pz1_ref, degI0_ref, degI1_ref, out_ref):
    i = pl.program_id(0)
    d = pz0_ref[...] + pz1_ref[...]
    din = degI0_ref[...] + degI1_ref[...]
    dii = jnp.where(din > 0.0, 1.0 / jnp.sqrt(din), 0.0)
    dd = d * dii
    part = jnp.sum(dd * dd).reshape(1, 1)

    @pl.when(i == 0)
    def _():
        out_ref[...] = jnp.zeros((1, 1), jnp.float32)

    out_ref[...] += part

    @pl.when(i == _NBLK - 1)
    def _():
        out_ref[...] = out_ref[...] * (1.0 / (N * OUT))


def _tc_loss(pz0, pz1, degI0, degI1):
    col = pl.BlockSpec((_BLK, 1), lambda i: (i, 0))
    return pl.pallas_call(
        _tc_loss_body,
        grid=(_NBLK,),
        in_specs=[
            pl.BlockSpec((_BLK, D), lambda i: (i, 0)),
            pl.BlockSpec((_BLK, D), lambda i: (i, 0)),
            col, col,
        ],
        out_specs=pl.BlockSpec((1, 1), lambda i: (0, 0)),
        out_shape=jax.ShapeDtypeStruct((1, 1), jnp.float32),
    )(pz0, pz1, degI0, degI1)


def kernel(x, edge_index, Wp1, bp1, Wp2, bp2, Wt1, bt1, Wt2, bt2):
    src = edge_index[0]
    dst = edge_index[1]

    degO, degI = _sc_degree(src, dst)
    degO0 = degO[:N].reshape(N, 1)
    degO1 = degO[NP:NP + N].reshape(N, 1)
    degI0 = degI[:N].reshape(N, 1)
    degI1 = degI[NP:NP + N].reshape(N, 1)

    xt, w2d = _tc_prep(degO0, degO1, x)
    w = w2d.reshape(N)

    px, ps = _sc_pass1(xt, w, src, dst)
    ps0 = ps[:N].reshape(N, 1)
    ps1 = ps[NP:NP + N].reshape(N, 1)

    bt1r = bt1.reshape(1, H)
    bp1r = bp1.reshape(1, H)
    bd2 = (bt2 - bp2).reshape(1, OUT)
    zt = _tc_dense(px[:N], px[NP:NP + N], ps0, ps1, degI0, degI1, w2d,
                   Wt1, Wp1, bt1r, bp1r, Wt2, Wp2, bd2)

    pz = _sc_pass2(zt, src, dst)
    loss = _tc_loss(pz[:N], pz[NP:NP + N], degI0, degI1)
    return loss[0, 0]

# --- scband reference (transcript-rebuilt; emitter-appended) ---
"""Pipeline reference for scband-random-network-distiller-57294863728904 (READ-ONLY COPY).

The authoritative reference and input builder live on the scoring server;
editing this copy changes nothing except your own understanding.
"""

import jax, jax.numpy as jnp
import numpy as np

N = 10000
D = 128
H = 128
OUT = 64
E = 320000


def setup_inputs(seed: int = 0) -> dict:
    key = jax.random.key(seed)
    ks = jax.random.split(key, 12)
    x = jax.random.normal(ks[0], (N, D), dtype=jnp.float32)
    edge_index = jax.random.randint(ks[1], (2, E), 0, N, dtype=jnp.int32)
    def lin(k, fan_in, fan_out):
        kw, kb = jax.random.split(k)
        W = jax.random.normal(kw, (fan_in, fan_out), dtype=jnp.float32) * (1.0 / np.sqrt(fan_in))
        b = jnp.zeros((fan_out,), dtype=jnp.float32)
        return W, b
    Wp1, bp1 = lin(ks[2], D, H)
    Wp2, bp2 = lin(ks[3], H, OUT)
    Wt1, bt1 = lin(ks[4], D, H)
    Wt2, bt2 = lin(ks[5], H, OUT)
    return {"x": x, "edge_index": edge_index,
            "Wp1": Wp1, "bp1": bp1, "Wp2": Wp2, "bp2": bp2,
            "Wt1": Wt1, "bt1": bt1, "Wt2": Wt2, "bt2": bt2}


def _gcn(x, src, dst, deg_out_is, deg_in_is, W1, b1, W2, b2):
    # DGL GraphConv norm='both': m = h[src] * deg_out(src)^{-1/2}; agg = scatter_add by dst; out = agg * deg_in(dst)^{-1/2}
    def layer(h, W, b):
        h = h @ W + b
        m = h[src] * deg_out_is[src][:, None]
        agg = jax.ops.segment_sum(m, dst, num_segments=N)
        return agg * deg_in_is[:, None]
    h = jax.nn.relu(layer(x, W1, b1))
    return layer(h, W2, b2)


def reference(x, edge_index, Wp1, bp1, Wp2, bp2, Wt1, bt1, Wt2, bt2):
    src = edge_index[0]
    dst = edge_index[1]
    deg_out = jnp.bincount(src, length=N).astype(jnp.float32)
    deg_in = jnp.bincount(dst, length=N).astype(jnp.float32)
    deg_out_is = jnp.where(deg_out > 0, 1.0 / jnp.sqrt(deg_out), 0.0)
    deg_in_is = jnp.where(deg_in > 0, 1.0 / jnp.sqrt(deg_in), 0.0)
    target = _gcn(x, src, dst, deg_out_is, deg_in_is, Wt1, bt1, Wt2, bt2)
    pred = _gcn(x, src, dst, deg_out_is, deg_in_is, Wp1, bp1, Wp2, bp2)
    loss = jnp.mean((target - pred) ** 2)
    return loss

if __name__ == "__main__":
    import jax
    _d = setup_inputs()
    print(jax.jit(kernel)(*tuple(_d.values())))

</pallas_src>

<mosaic_0001>
#map = affine_map<(d0, d1) -> (0)>
module attributes {stable_mosaic.version = 14 : i64} {
  func.func @_sc_degree(%arg0: i32, %arg1: i32, %arg2: memref<320000xi32, #tpu.memory_space<hbm>>, %arg3: memref<320000xi32, #tpu.memory_space<hbm>>, %arg4: memref<20480xf32, #tpu.memory_space<hbm>>, %arg5: memref<20480xf32, #tpu.memory_space<hbm>>, %arg6: memref<80xi32, #tpu.memory_space<vmem>>, %arg7: memref<80xi32, #tpu.memory_space<vmem>>, %arg8: memref<80xf32, #tpu.memory_space<vmem>>, %arg9: memref<640xf32, #tpu.memory_space<vmem>>, %arg10: memref<10240xf32, #tpu.memory_space<vmem_shared>>, %arg11: memref<10240xf32, #tpu.memory_space<vmem_shared>>) attributes {dimension_semantics = [#tpu.dimension_semantics<core_parallel>, #tpu.dimension_semantics<subcore_parallel>], iteration_bounds = array<i64: 2, 16>, scalar_prefetch = 0 : i64, scratch_operands = 6 : i64, tpu.core_type = #tpu.core_type<sc_vector_subcore>, window_params = [{transform_indices = #map}, {transform_indices = #map}, {transform_indices = #map}, {transform_indices = #map}]} {
    %mul3A = arith.constant 2 : i32
    %mul3A_0 = arith.muli %arg1, %mul3A : i32
    %add3A = arith.addi %mul3A_0, %arg0 : i32
    %scan3A = arith.constant 0 : i32
    %scan3A_1 = arith.constant 0 : i32
    %scan3A_2 = arith.constant 40 : i32
    %scan3A_3 = arith.addi %scan3A_1, %scan3A_2 : i32
    %scan3A_4 = arith.constant 1 : i32
    scf.for %scan3A_43 = %scan3A_1 to %scan3A_3 step %scan3A_4  : i32 {
      %broadcast_in_dim3A = arith.constant 0.000000e+00 : f32
      %broadcast_in_dim3A_44 = vector.broadcast %broadcast_in_dim3A : f32 to vector<16xf32>
      %mul3A_45 = arith.constant 16 : i32
      %mul3A_46 = arith.muli %scan3A_43, %mul3A_45 : i32
      %swap3A = arith.index_cast %mul3A_46 : i32 to index
      %swap3A_47 = tpu.vector_load %arg9[%swap3A] {strides = array<i32>} : memref<640xf32, #tpu.memory_space<vmem>>, vector<16xf32>,
      %swap3A_48 = vector.shape_cast %swap3A_47 : vector<16xf32> to vector<16xf32>
      %swap3A_49 = vector.shape_cast %broadcast_in_dim3A_44 : vector<16xf32> to vector<16xf32>
      tpu.vector_store %arg9[%swap3A], %swap3A_49 {strides = array<i32>} : memref<640xf32, #tpu.memory_space<vmem>>, vector<16xf32>,
    }
    %scan3A_5 = arith.constant 40 : i32
    %scan3A_6 = arith.constant 0 : i32
    %scan3A_7 = arith.constant 0 : i32
    %scan3A_8 = arith.constant 5 : i32
    %scan3A_9 = arith.addi %scan3A_7, %scan3A_8 : i32
    %scan3A_10 = arith.constant 1 : i32
    scf.for %scan3A_43 = %scan3A_7 to %scan3A_9 step %scan3A_10  : i32 {
      %broadcast_in_dim3A = arith.constant 0.000000e+00 : f32
      %broadcast_in_dim3A_44 = vector.broadcast %broadcast_in_dim3A : f32 to vector<16xf32>
      %mul3A_45 = arith.constant 16 : i32
      %mul3A_46 = arith.muli %scan3A_43, %mul3A_45 : i32
      %swap3A = arith.index_cast %mul3A_46 : i32 to index
      %swap3A_47 = tpu.vector_load %arg8[%swap3A] {strides = array<i32>} : memref<80xf32, #tpu.memory_space<vmem>>, vector<16xf32>,
      %swap3A_48 = vector.shape_cast %swap3A_47 : vector<16xf32> to vector<16xf32>
      %swap3A_49 = vector.shape_cast %broadcast_in_dim3A_44 : vector<16xf32> to vector<16xf32>
      tpu.vector_store %arg8[%swap3A], %swap3A_49 {strides = array<i32>} : memref<80xf32, #tpu.memory_space<vmem>>, vector<16xf32>,
    }
    %scan3A_11 = arith.constant 5 : i32
    %scan3A_12 = arith.constant 0 : i32
    %scan3A_13 = arith.constant 0 : i32
    %scan3A_14 = arith.constant 5 : i32
    %scan3A_15 = arith.addi %scan3A_13, %scan3A_14 : i32
    %scan3A_16 = arith.constant 1 : i32
    scf.for %scan3A_43 = %scan3A_13 to %scan3A_15 step %scan3A_16  : i32 {
      %broadcast_in_dim3A = arith.constant 1.000000e+00 : f32
      %broadcast_in_dim3A_44 = vector.broadcast %broadcast_in_dim3A : f32 to vector<16xf32>
      %mul3A_45 = arith.constant 16 : i32
      %mul3A_46 = arith.muli %scan3A_43, %mul3A_45 : i32
      %swap3A = arith.index_cast %mul3A_46 : i32 to index
      %swap3A_47 = tpu.vector_load %arg8[%swap3A] {strides = array<i32>} : memref<80xf32, #tpu.memory_space<vmem>>, vector<16xf32>,
      %swap3A_48 = vector.shape_cast %swap3A_47 : vector<16xf32> to vector<16xf32>
      %swap3A_49 = vector.shape_cast %broadcast_in_dim3A_44 : vector<16xf32> to vector<16xf32>
      tpu.vector_store %arg8[%swap3A], %swap3A_49 {strides = array<i32>} : memref<80xf32, #tpu.memory_space<vmem>>, vector<16xf32>,
    }
    %scan3A_17 = arith.constant 5 : i32
    %mul3A_18 = arith.constant 640 : i32
    %mul3A_19 = arith.muli %arg1, %mul3A_18 : i32
    "tpu.region"() ({
      %run_scoped3A = tpu.sem_alloc : memref<!tpu.dma_semaphore, #tpu.memory_space<semaphore_mem>>
      %dma_start3A = tpu.memref_slice %arg10[%mul3A_19] : memref<10240xf32, #tpu.memory_space<vmem_shared>> -> memref<640xf32, #tpu.memory_space<vmem_shared>>
      %dma_start3A_43 = tpu.memref_slice %arg10[%mul3A_19] : memref<10240xf32, #tpu.memory_space<vmem_shared>> -> memref<640xf32, #tpu.memory_space<vmem_shared>>
      tpu.enqueue_dma source(%arg9 : memref<640xf32, #tpu.memory_space<vmem>>) target(%dma_start3A_43 : memref<640xf32, #tpu.memory_space<vmem_shared>>) target_semaphore(%run_scoped3A : memref<!tpu.dma_semaphore, #tpu.memory_space<semaphore_mem>>)
      %dma_wait3A = tpu.memref_slice %arg10[%mul3A_19] : memref<10240xf32, #tpu.memory_space<vmem_shared>> -> memref<640xf32, #tpu.memory_space<vmem_shared>>
      %dma_wait3A_44 = tpu.memref_slice %arg10[%mul3A_19] : memref<10240xf32, #tpu.memory_space<vmem_shared>> -> memref<640xf32, #tpu.memory_space<vmem_shared>>
      tpu.wait_dma2 semaphore(%run_scoped3A : memref<!tpu.dma_semaphore, #tpu.memory_space<semaphore_mem>>) src(%arg9 : memref<640xf32, #tpu.memory_space<vmem>>) dst(%dma_wait3A_44 : memref<640xf32, #tpu.memory_space<vmem_shared>>)
      tpu.yield
    }) : () -> ()
    %mul3A_20 = arith.constant 640 : i32
    %mul3A_21 = arith.muli %arg1, %mul3A_20 : i32
    "tpu.region"() ({
      %run_scoped3A = tpu.sem_alloc : memref<!tpu.dma_semaphore, #tpu.memory_space<semaphore_mem>>
      %dma_start3A = tpu.memref_slice %arg11[%mul3A_21] : memref<10240xf32, #tpu.memory_space<vmem_shared>> -> memref<640xf32, #tpu.memory_space<vmem_shared>>
      %dma_start3A_43 = tpu.memref_slice %arg11[%mul3A_21] : memref<10240xf32, #tpu.memory_space<vmem_shared>> -> memref<640xf32, #tpu.memory_space<vmem_shared>>
      tpu.enqueue_dma source(%arg9 : memref<640xf32, #tpu.memory_space<vmem>>) target(%dma_start3A_43 : memref<640xf32, #tpu.memory_space<vmem_shared>>) target_semaphore(%run_scoped3A : memref<!tpu.dma_semaphore, #tpu.memory_space<semaphore_mem>>)
      %dma_wait3A = tpu.memref_slice %arg11[%mul3A_21] : memref<10240xf32, #tpu.memory_space<vmem_shared>> -> memref<640xf32, #tpu.memory_space<vmem_shared>>
      %dma_wait3A_44 = tpu.memref_slice %arg11[%mul3A_21] : memref<10240xf32, #tpu.memory_space<vmem_shared>> -> memref<640xf32, #tpu.memory_space<vmem_shared>>
      tpu.wait_dma2 semaphore(%run_scoped3A : memref<!tpu.dma_semaphore, #tpu.memory_space<semaphore_mem>>) src(%arg9 : memref<640xf32, #tpu.memory_space<vmem>>) dst(%dma_wait3A_44 : memref<640xf32, #tpu.memory_space<vmem_shared>>)
      tpu.yield
    }) : () -> ()
    %barrier3A = arith.constant 0 : index
    tpu.barrier barrier_id(%barrier3A)
    %scan3A_22 = arith.constant 0 : i32
    %scan3A_23 = arith.constant 0 : i32
    %scan3A_24 = arith.constant 125 : i32
    %scan3A_25 = arith.addi %scan3A_23, %scan3A_24 : i32
    %scan3A_26 = arith.constant 1 : i32
    scf.for %scan3A_43 = %scan3A_23 to %scan3A_25 step %scan3A_26  : i32 {
      %mul3A_44 = arith.constant 10000 : i32
      %mul3A_45 = arith.muli %add3A, %mul3A_44 : i32
      %mul3A_46 = arith.constant 80 : i32
      %mul3A_47 = arith.muli %scan3A_43, %mul3A_46 : i32
      %add3A_48 = arith.addi %mul3A_45, %mul3A_47 : i32
      %multiple_of3A = tpu.assume_multiple %add3A_48, 8 : i32
      "tpu.region"() ({
        %run_scoped3A = tpu.sem_alloc : memref<!tpu.dma_semaphore, #tpu.memory_space<semaphore_mem>>
        %dma_start3A = tpu.memref_slice %arg2[%multiple_of3A] : memref<320000xi32, #tpu.memory_space<hbm>> -> memref<80xi32, #tpu.memory_space<hbm>>
        %dma_start3A_49 = tpu.memref_slice %arg2[%multiple_of3A] : memref<320000xi32, #tpu.memory_space<hbm>> -> memref<80xi32, #tpu.memory_space<hbm>>
        tpu.enqueue_dma source(%dma_start3A_49 : memref<80xi32, #tpu.memory_space<hbm>>) target(%arg6 : memref<80xi32, #tpu.memory_space<vmem>>) target_semaphore(%run_scoped3A : memref<!tpu.dma_semaphore, #tpu.memory_space<semaphore_mem>>)
        %dma_wait3A = tpu.memref_slice %arg2[%multiple_of3A] : memref<320000xi32, #tpu.memory_space<hbm>> -> memref<80xi32, #tpu.memory_space<hbm>>
        %dma_wait3A_50 = tpu.memref_slice %arg2[%multiple_of3A] : memref<320000xi32, #tpu.memory_space<hbm>> -> memref<80xi32, #tpu.memory_space<hbm>>
        tpu.wait_dma2 semaphore(%run_scoped3A : memref<!tpu.dma_semaphore, #tpu.memory_space<semaphore_mem>>) src(%dma_wait3A_50 : memref<80xi32, #tpu.memory_space<hbm>>) dst(%arg6 : memref<80xi32, #tpu.memory_space<vmem>>)
        tpu.yield
      }) : () -> ()
      "tpu.region"() ({
        %run_scoped3A = tpu.sem_alloc : memref<!tpu.dma_semaphore, #tpu.memory_space<semaphore_mem>>
        %dma_start3A = tpu.memref_slice %arg3[%multiple_of3A] : memref<320000xi32, #tpu.memory_space<hbm>> -> memref<80xi32, #tpu.memory_space<hbm>>
        %dma_start3A_49 = tpu.memref_slice %arg3[%multiple_of3A] : memref<320000xi32, #tpu.memory_space<hbm>> -> memref<80xi32, #tpu.memory_space<hbm>>
        tpu.enqueue_dma source(%dma_start3A_49 : memref<80xi32, #tpu.memory_space<hbm>>) target(%arg7 : memref<80xi32, #tpu.memory_space<vmem>>) target_semaphore(%run_scoped3A : memref<!tpu.dma_semaphore, #tpu.memory_space<semaphore_mem>>)
        %dma_wait3A = tpu.memref_slice %arg3[%multiple_of3A] : memref<320000xi32, #tpu.memory_space<hbm>> -> memref<80xi32, #tpu.memory_space<hbm>>
        %dma_wait3A_50 = tpu.memref_slice %arg3[%multiple_of3A] : memref<320000xi32, #tpu.memory_space<hbm>> -> memref<80xi32, #tpu.memory_space<hbm>>
        tpu.wait_dma2 semaphore(%run_scoped3A : memref<!tpu.dma_semaphore, #tpu.memory_space<semaphore_mem>>) src(%dma_wait3A_50 : memref<80xi32, #tpu.memory_space<hbm>>) dst(%arg7 : memref<80xi32, #tpu.memory_space<vmem>>)
        tpu.yield
      }) : () -> ()
      "tpu.region"() ({
        %run_scoped3A = tpu.sem_alloc : memref<!tpu.dma_semaphore, #tpu.memory_space<semaphore_mem>>
        %dma_start3A = arith.constant 0 : i32
        %dma_start3A_49 = tpu.memref_slice %arg10[%dma_start3A] : memref<10240xf32, #tpu.memory_space<vmem_shared>> -> memref<10240xf32, #tpu.memory_space<vmem_shared>>
        tpu.enqueue_indirect_dma source(%arg8 : memref<80xf32, #tpu.memory_space<vmem>>) target(%dma_start3A_49 : memref<10240xf32, #tpu.memory_space<vmem_shared>>) offsets(%arg6 : memref<80xi32, #tpu.memory_space<vmem>>) semaphore(%run_scoped3A : memref<!tpu.dma_semaphore, #tpu.memory_space<semaphore_mem>>) {add = true}
        %dma_wait3A = arith.constant 0 : i32
        %dma_wait3A_50 = tpu.memref_slice %arg10[%dma_wait3A] : memref<10240xf32, #tpu.memory_space<vmem_shared>> -> memref<10240xf32, #tpu.memory_space<vmem_shared>>
        tpu.wait_indirect_dma semaphore(%run_scoped3A : memref<!tpu.dma_semaphore, #tpu.memory_space<semaphore_mem>>) src(%arg8 : memref<80xf32, #tpu.memory_space<vmem>>) dst(%dma_wait3A_50 : memref<10240xf32, #tpu.memory_space<vmem_shared>>)
        tpu.yield
      }) : () -> ()
      "tpu.region"() ({
        %run_scoped3A = tpu.sem_alloc : memref<!tpu.dma_semaphore, #tpu.memory_space<semaphore_mem>>
        %dma_start3A = arith.constant 0 : i32
        %dma_start3A_49 = tpu.memref_slice %arg11[%dma_start3A] : memref<10240xf32, #tpu.memory_space<vmem_shared>> -> memref<10240xf32, #tpu.memory_space<vmem_shared>>
        tpu.enqueue_indirect_dma source(%arg8 : memref<80xf32, #tpu.memory_space<vmem>>) target(%dma_start3A_49 : memref<10240xf32, #tpu.memory_space<vmem_shared>>) offsets(%arg7 : memref<80xi32, #tpu.memory_space<vmem>>) semaphore(%run_scoped3A : memref<!tpu.dma_semaphore, #tpu.memory_space<semaphore_mem>>) {add = true}
        %dma_wait3A = arith.constant 0 : i32
        %dma_wait3A_50 = tpu.memref_slice %arg11[%dma_wait3A] : memref<10240xf32, #tpu.memory_space<vmem_shared>> -> memref<10240xf32, #tpu.memory_space<vmem_shared>>
        tpu.wait_indirect_dma semaphore(%run_scoped3A : memref<!tpu.dma_semaphore, #tpu.memory_space<semaphore_mem>>) src(%arg8 : memref<80xf32, #tpu.memory_space<vmem>>) dst(%dma_wait3A_50 : memref<10240xf32, #tpu.memory_space<vmem_shared>>)
        tpu.yield
      }) : () -> ()
    }
    %scan3A_27 = arith.constant 125 : i32
    %barrier3A_28 = arith.constant 0 : index
    tpu.barrier barrier_id(%barrier3A_28)
    %mul3A_29 = arith.constant 640 : i32
    %mul3A_30 = arith.muli %arg1, %mul3A_29 : i32
    %mul3A_31 = arith.constant 10240 : i32
    %mul3A_32 = arith.muli %arg0, %mul3A_31 : i32
    %mul3A_33 = arith.constant 640 : i32
    %mul3A_34 = arith.muli %arg1, %mul3A_33 : i32
    %add3A_35 = arith.addi %mul3A_32, %mul3A_34 : i32
    "tpu.region"() ({
      %run_scoped3A = tpu.sem_alloc : memref<!tpu.dma_semaphore, #tpu.memory_space<semaphore_mem>>
      %dma_start3A = tpu.memref_slice %arg4[%add3A_35] : memref<20480xf32, #tpu.memory_space<hbm>> -> memref<640xf32, #tpu.memory_space<hbm>>
      %dma_start3A_43 = tpu.memref_slice %arg10[%mul3A_30] : memref<10240xf32, #tpu.memory_space<vmem_shared>> -> memref<640xf32, #tpu.memory_space<vmem_shared>>
      tpu.enqueue_dma source(%dma_start3A_43 : memref<640xf32, #tpu.memory_space<vmem_shared>>) target(%dma_start3A : memref<640xf32, #tpu.memory_space<hbm>>) target_semaphore(%run_scoped3A : memref<!tpu.dma_semaphore, #tpu.memory_space<semaphore_mem>>)
      %dma_wait3A = tpu.memref_slice %arg4[%add3A_35] : memref<20480xf32, #tpu.memory_space<hbm>> -> memref<640xf32, #tpu.memory_space<hbm>>
      %dma_wait3A_44 = tpu.memref_slice %arg10[%mul3A_30] : memref<10240xf32, #tpu.memory_space<vmem_shared>> -> memref<640xf32, #tpu.memory_space<vmem_shared>>
      tpu.wait_dma2 semaphore(%run_scoped3A : memref<!tpu.dma_semaphore, #tpu.memory_space<semaphore_mem>>) src(%dma_wait3A_44 : memref<640xf32, #tpu.memory_space<vmem_shared>>) dst(%dma_wait3A : memref<640xf32, #tpu.memory_space<hbm>>)
      tpu.yield
    }) : () -> ()
    %mul3A_36 = arith.constant 640 : i32
    %mul3A_37 = arith.muli %arg1, %mul3A_36 : i32
    %mul3A_38 = arith.constant 10240 : i32
    %mul3A_39 = arith.muli %arg0, %mul3A_38 : i32
    %mul3A_40 = arith.constant 640 : i32
    %mul3A_41 = arith.muli %arg1, %mul3A_40 : i32
    %add3A_42 = arith.addi %mul3A_39, %mul3A_41 : i32
    "tpu.region"() ({
      %run_scoped3A = tpu.sem_alloc : memref<!tpu.dma_semaphore, #tpu.memory_space<semaphore_mem>>
      %dma_start3A = tpu.memref_slice %arg5[%add3A_42] : memref<20480xf32, #tpu.memory_space<hbm>> -> memref<640xf32, #tpu.memory_space<hbm>>
      %dma_start3A_43 = tpu.memref_slice %arg11[%mul3A_37] : memref<10240xf32, #tpu.memory_space<vmem_shared>> -> memref<640xf32, #tpu.memory_space<vmem_shared>>
      tpu.enqueue_dma source(%dma_start3A_43 : memref<640xf32, #tpu.memory_space<vmem_shared>>) target(%dma_start3A : memref<640xf32, #tpu.memory_space<hbm>>) target_semaphore(%run_scoped3A : memref<!tpu.dma_semaphore, #tpu.memory_space<semaphore_mem>>)
      %dma_wait3A = tpu.memref_slice %arg5[%add3A_42] : memref<20480xf32, #tpu.memory_space<hbm>> -> memref<640xf32, #tpu.memory_space<hbm>>
      %dma_wait3A_44 = tpu.memref_slice %arg11[%mul3A_37] : memref<10240xf32, #tpu.memory_space<vmem_shared>> -> memref<640xf32, #tpu.memory_space<vmem_shared>>
      tpu.wait_dma2 semaphore(%run_scoped3A : memref<!tpu.dma_semaphore, #tpu.memory_space<semaphore_mem>>) src(%dma_wait3A_44 : memref<640xf32, #tpu.memory_space<vmem_shared>>) dst(%dma_wait3A : memref<640xf32, #tpu.memory_space<hbm>>)
      tpu.yield
    }) : () -> ()
    return
  }
}

#map = affine_map<(d0, d1) -> (0, 0)>
#map1 = affine_map<(d0, d1) -> (0)>
module attributes {stable_mosaic.version = 14 : i64} {
  func.func @_sc_pass2(%arg0: i32, %arg1: i32, %arg2: memref<10000x128xf32, #tpu.memory_space<hbm>>, %arg3: memref<320000xi32, #tpu.memory_space<hbm>>, %arg4: memref<320000xi32, #tpu.memory_space<hbm>>, %arg5: memref<20480x128xf32, #tpu.memory_space<hbm>>, %arg6: memref<80xi32, #tpu.memory_space<vmem>>, %arg7: memref<80xi32, #tpu.memory_space<vmem>>, %arg8: memref<80x128xf32, #tpu.memory_space<vmem>>, %arg9: memref<128x128xf32, #tpu.memory_space<vmem>>, %arg10: memref<10240x128xf32, #tpu.memory_space<vmem_shared>>, %arg11: memref<!tpu.dma_semaphore, #tpu.memory_space<semaphore_mem>>) attributes {dimension_semantics = [#tpu.dimension_semantics<core_parallel>, #tpu.dimension_semantics<subcore_parallel>], iteration_bounds = array<i64: 2, 16>, scalar_prefetch = 0 : i64, scratch_operands = 6 : i64, tpu.core_type = #tpu.core_type<sc_vector_subcore>, window_params = [{transform_indices = #map}, {transform_indices = #map1}, {transform_indices = #map1}, {transform_indices = #map}]} {
    %mul3A = arith.constant 2 : i32
    %mul3A_0 = arith.muli %arg1, %mul3A : i32
    %add3A = arith.addi %mul3A_0, %arg0 : i32
    %scan3A = arith.constant 0 : i32
    %scan3A_1 = arith.constant 0 : i32
    %scan3A_2 = arith.constant 128 : i32
    %scan3A_3 = arith.addi %scan3A_1, %scan3A_2 : i32
    %scan3A_4 = arith.constant 1 : i32
    scf.for %scan3A_88 = %scan3A_1 to %scan3A_3 step %scan3A_4  : i32 {
      %broadcast_in_dim3A = arith.constant 0.000000e+00 : f32
      %broadcast_in_dim3A_89 = vector.broadcast %broadcast_in_dim3A : f32 to vector<16xf32>
      %swap3A = arith.index_cast %scan3A_88 : i32 to index
      %swap3A_90 = arith.constant 0 : index
      %swap3A_91 = tpu.vector_load %arg9[%swap3A, %swap3A_90] {strides = array<i32>} : memref<128x128xf32, #tpu.memory_space<vmem>>, vector<1x16xf32>,
      %swap3A_92 = vector.shape_cast %swap3A_91 : vector<1x16xf32> to vector<16xf32>
      %swap3A_93 = vector.shape_cast %broadcast_in_dim3A_89 : vector<16xf32> to vector<1x16xf32>
      tpu.vector_store %arg9[%swap3A, %swap3A_90], %swap3A_93 {strides = array<i32>} : memref<128x128xf32, #tpu.memory_space<vmem>>, vector<1x16xf32>,
      %broadcast_in_dim3A_94 = arith.constant 0.000000e+00 : f32
      %broadcast_in_dim3A_95 = vector.broadcast %broadcast_in_dim3A_94 : f32 to vector<16xf32>
      %swap3A_96 = arith.index_cast %scan3A_88 : i32 to index
      %swap3A_97 = arith.constant 16 : index
      %swap3A_98 = tpu.vector_load %arg9[%swap3A_96, %swap3A_97] {strides = array<i32>} : memref<128x128xf32, #tpu.memory_space<vmem>>, vector<1x16xf32>,
      %swap3A_99 = vector.shape_cast %swap3A_98 : vector<1x16xf32> to vector<16xf32>
      %swap3A_100 = vector.shape_cast %broadcast_in_dim3A_95 : vector<16xf32> to vector<1x16xf32>
      tpu.vector_store %arg9[%swap3A_96, %swap3A_97], %swap3A_100 {strides = array<i32>} : memref<128x128xf32, #tpu.memory_space<vmem>>, vector<1x16xf32>,
      %broadcast_in_dim3A_101 = arith.constant 0.000000e+00 : f32
      %broadcast_in_dim3A_102 = vector.broadcast %broadcast_in_dim3A_101 : f32 to vector<16xf32>
      %swap3A_103 = arith.index_cast %scan3A_88 : i32 to index
      %swap3A_104 = arith.constant 32 : index
      %swap3A_105 = tpu.vector_load %arg9[%swap3A_103, %swap3A_104] {strides = array<i32>} : memref<128x128xf32, #tpu.memory_space<vmem>>, vector<1x16xf32>,
      %swap3A_106 = vector.shape_cast %swap3A_105 : vector<1x16xf32> to vector<16xf32>
      %swap3A_107 = vector.shape_cast %broadcast_in_dim3A_102 : vector<16xf32> to vector<1x16xf32>
      tpu.vector_store %arg9[%swap3A_103, %swap3A_104], %swap3A_107 {strides = array<i32>} : memref<128x128xf32, #tpu.memory_space<vmem>>, vector<1x16xf32>,
      %broadcast_in_dim3A_108 = arith.constant 0.000000e+00 : f32
      %broadcast_in_dim3A_109 = vector.broadcast %broadcast_in_dim3A_108 : f32 to vector<16xf32>
      %swap3A_110 = arith.index_cast %scan3A_88 : i32 to index
      %swap3A_111 = arith.constant 48 : index
      %swap3A_112 = tpu.vector_load %arg9[%swap3A_110, %swap3A_111] {strides = array<i32>} : memref<128x128xf32, #tpu.memory_space<vmem>>, vector<1x16xf32>,
      %swap3A_113 = vector.shape_cast %swap3A_112 : vector<1x16xf32> to vector<16xf32>
      %swap3A_114 = vector.shape_cast %broadcast_in_dim3A_109 : vector<16xf32> to vector<1x16xf32>
      tpu.vector_store %arg9[%swap3A_110, %swap3A_111], %swap3A_114 {strides = array<i32>} : memref<128x128xf32, #tpu.memory_space<vmem>>, vector<1x16xf32>,
      %broadcast_in_dim3A_115 = arith.constant 0.000000e+00 : f32
      %broadcast_in_dim3A_116 = vector.broadcast %broadcast_in_dim3A_115 : f32 to vector<16xf32>
      %swap3A_117 = arith.index_cast %scan3A_88 : i32 to index
      %swap3A_118 = arith.constant 64 : index
      %swap3A_119 = tpu.vector_load %arg9[%swap3A_117, %swap3A_118] {strides = array<i32>} : memref<128x128xf32, #tpu.memory_space<vmem>>, vector<1x16xf32>,
      %swap3A_120 = vector.shape_cast %swap3A_119 : vector<1x16xf32> to vector<16xf32>
      %swap3A_121 = vector.shape_cast %broadcast_in_dim3A_116 : vector<16xf32> to vector<1x16xf32>
      tpu.vector_store %arg9[%swap3A_117, %swap3A_118], %swap3A_121 {strides = array<i32>} : memref<128x128xf32, #tpu.memory_space<vmem>>, vector<1x16xf32>,
      %broadcast_in_dim3A_122 = arith.constant 0.000000e+00 : f32
      %broadcast_in_dim3A_123 = vector.broadcast %broadcast_in_dim3A_122 : f32 to vector<16xf32>
      %swap3A_124 = arith.index_cast %scan3A_88 : i32 to index
      %swap3A_125 = arith.constant 80 : index
      %swap3A_126 = tpu.vector_load %arg9[%swap3A_124, %swap3A_125] {strides = array<i32>} : memref<128x128xf32, #tpu.memory_space<vmem>>, vector<1x16xf32>,
      %swap3A_127 = vector.shape_cast %swap3A_126 : vector<1x16xf32> to vector<16xf32>
      %swap3A_128 = vector.shape_cast %broadcast_in_dim3A_123 : vector<16xf32> to vector<1x16xf32>
      tpu.vector_store %arg9[%swap3A_124, %swap3A_125], %swap3A_128 {strides = array<i32>} : memref<128x128xf32, #tpu.memory_space<vmem>>, vector<1x16xf32>,
      %broadcast_in_dim3A_129 = arith.constant 0.000000e+00 : f32
      %broadcast_in_dim3A_130 = vector.broadcast %broadcast_in_dim3A_129 : f32 to vector<16xf32>
      %swap3A_131 = arith.index_cast %scan3A_88 : i32 to index
      %swap3A_132 = arith.constant 96 : index
      %swap3A_133 = tpu.vector_load %arg9[%swap3A_131, %swap3A_132] {strides = array<i32>} : memref<128x128xf32, #tpu.memory_space<vmem>>, vector<1x16xf32>,
      %swap3A_134 = vector.shape_cast %swap3A_133 : vector<1x16xf32> to vector<16xf32>
      %swap3A_135 = vector.shape_cast %broadcast_in_dim3A_130 : vector<16xf32> to vector<1x16xf32>
      tpu.vector_store %arg9[%swap3A_131, %swap3A_132], %swap3A_135 {strides = array<i32>} : memref<128x128xf32, #tpu.memory_space<vmem>>, vector<1x16xf32>,
      %broadcast_in_dim3A_136 = arith.constant 0.000000e+00 : f32
      %broadcast_in_dim3A_137 = vector.broadcast %broadcast_in_dim3A_136 : f32 to vector<16xf32>
      %swap3A_138 = arith.index_cast %scan3A_88 : i32 to index
      %swap3A_139 = arith.constant 112 : index
      %swap3A_140 = tpu.vector_load %arg9[%swap3A_138, %swap3A_139] {strides = array<i32>} : memref<128x128xf32, #tpu.memory_space<vmem>>, vector<1x16xf32>,
      %swap3A_141 = vector.shape_cast %swap3A_140 : vector<1x16xf32> to vector<16xf32>
      %swap3A_142 = vector.shape_cast %broadcast_in_dim3A_137 : vector<16xf32> to vector<1x16xf32>
      tpu.vector_store %arg9[%swap3A_138, %swap3A_139], %swap3A_142 {strides = array<i32>} : memref<128x128xf32, #tpu.memory_space<vmem>>, vector<1x16xf32>,
    }
    %scan3A_5 = arith.constant 128 : i32
    %mul3A_6 = arith.constant 640 : i32
    %mul3A_7 = arith.muli %arg1, %mul3A_6 : i32
    %add3A_8 = arith.constant 0 : i32
    %add3A_9 = arith.addi %mul3A_7, %add3A_8 : i32
    "tpu.region"() ({
      %run_scoped3A = tpu.sem_alloc : memref<!tpu.dma_semaphore, #tpu.memory_space<semaphore_mem>>
      %dma_start3A = arith.constant 0 : i32
      %dma_start3A_88 = tpu.memref_slice %arg10[%add3A_9, %dma_start3A] : memref<10240x128xf32, #tpu.memory_space<vmem_shared>> -> memref<128x128xf32, #tpu.memory_space<vmem_shared>>
      %dma_start3A_89 = arith.constant 0 : i32
      %dma_start3A_90 = tpu.memref_slice %arg10[%add3A_9, %dma_start3A_89] : memref<10240x128xf32, #tpu.memory_space<vmem_shared>> -> memref<128x128xf32, #tpu.memory_space<vmem_shared>>
      tpu.enqueue_dma source(%arg9 : memref<128x128xf32, #tpu.memory_space<vmem>>) target(%dma_start3A_90 : memref<128x128xf32, #tpu.memory_space<vmem_shared>>) target_semaphore(%run_scoped3A : memref<!tpu.dma_semaphore, #tpu.memory_space<semaphore_mem>>)
      %dma_wait3A = arith.constant 0 : i32
      %dma_wait3A_91 = tpu.memref_slice %arg10[%add3A_9, %dma_wait3A] : memref<10240x128xf32, #tpu.memory_space<vmem_shared>> -> memref<128x128xf32, #tpu.memory_space<vmem_shared>>
      %dma_wait3A_92 = arith.constant 0 : i32
      %dma_wait3A_93 = tpu.memref_slice %arg10[%add3A_9, %dma_wait3A_92] : memref<10240x128xf32, #tpu.memory_space<vmem_shared>> -> memref<128x128xf32, #tpu.memory_space<vmem_shared>>
      tpu.wait_dma2 semaphore(%run_scoped3A : memref<!tpu.dma_semaphore, #tpu.memory_space<semaphore_mem>>) src(%arg9 : memref<128x128xf32, #tpu.memory_space<vmem>>) dst(%dma_wait3A_93 : memref<128x128xf32, #tpu.memory_space<vmem_shared>>)
      tpu.yield
    }) : () -> ()
    %mul3A_10 = arith.constant 640 : i32
    %mul3A_11 = arith.muli %arg1, %mul3A_10 : i32
    %add3A_12 = arith.constant 128 : i32
    %add3A_13 = arith.addi %mul3A_11, %add3A_12 : i32
    "tpu.region"() ({
      %run_scoped3A = tpu.sem_alloc : memref<!tpu.dma_semaphore, #tpu.memory_space<semaphore_mem>>
      %dma_start3A = arith.constant 0 : i32
      %dma_start3A_88 = tpu.memref_slice %arg10[%add3A_13, %dma_start3A] : memref<10240x128xf32, #tpu.memory_space<vmem_shared>> -> memref<128x128xf32, #tpu.memory_space<vmem_shared>>
      %dma_start3A_89 = arith.constant 0 : i32
      %dma_start3A_90 = tpu.memref_slice %arg10[%add3A_13, %dma_start3A_89] : memref<10240x128xf32, #tpu.memory_space<vmem_shared>> -> memref<128x128xf32, #tpu.memory_space<vmem_shared>>
      tpu.enqueue_dma source(%arg9 : memref<128x128xf32, #tpu.memory_space<vmem>>) target(%dma_start3A_90 : memref<128x128xf32, #tpu.memory_space<vmem_shared>>) target_semaphore(%run_scoped3A : memref<!tpu.dma_semaphore, #tpu.memory_space<semaphore_mem>>)
      %dma_wait3A = arith.constant 0 : i32
      %dma_wait3A_91 = tpu.memref_slice %arg10[%add3A_13, %dma_wait3A] : memref<10240x128xf32, #tpu.memory_space<vmem_shared>> -> memref<128x128xf32, #tpu.memory_space<vmem_shared>>
      %dma_wait3A_92 = arith.constant 0 : i32
      %dma_wait3A_93 = tpu.memref_slice %arg10[%add3A_13, %dma_wait3A_92] : memref<10240x128xf32, #tpu.memory_space<vmem_shared>> -> memref<128x128xf32, #tpu.memory_space<vmem_shared>>
      tpu.wait_dma2 semaphore(%run_scoped3A : memref<!tpu.dma_semaphore, #tpu.memory_space<semaphore_mem>>) src(%arg9 : memref<128x128xf32, #tpu.memory_space<vmem>>) dst(%dma_wait3A_93 : memref<128x128xf32, #tpu.memory_space<vmem_shared>>)
      tpu.yield
    }) : () -> ()
    %mul3A_14 = arith.constant 640 : i32
    %mul3A_15 = arith.muli %arg1, %mul3A_14 : i32
    %add3A_16 = arith.constant 256 : i32
    %add3A_17 = arith.addi %mul3A_15, %add3A_16 : i32
    "tpu.region"() ({
      %run_scoped3A = tpu.sem_alloc : memref<!tpu.dma_semaphore, #tpu.memory_space<semaphore_mem>>
      %dma_start3A = arith.constant 0 : i32
      %dma_start3A_88 = tpu.memref_slice %arg10[%add3A_17, %dma_start3A] : memref<10240x128xf32, #tpu.memory_space<vmem_shared>> -> memref<128x128xf32, #tpu.memory_space<vmem_shared>>
      %dma_start3A_89 = arith.constant 0 : i32
      %dma_start3A_90 = tpu.memref_slice %arg10[%add3A_17, %dma_start3A_89] : memref<10240x128xf32, #tpu.memory_space<vmem_shared>> -> memref<128x128xf32, #tpu.memory_space<vmem_shared>>
      tpu.enqueue_dma source(%arg9 : memref<128x128xf32, #tpu.memory_space<vmem>>) target(%dma_start3A_90 : memref<128x128xf32, #tpu.memory_space<vmem_shared>>) target_semaphore(%run_scoped3A : memref<!tpu.dma_semaphore, #tpu.memory_space<semaphore_mem>>)
      %dma_wait3A = arith.constant 0 : i32
      %dma_wait3A_91 = tpu.memref_slice %arg10[%add3A_17, %dma_wait3A] : memref<10240x128xf32, #tpu.memory_space<vmem_shared>> -> memref<128x128xf32, #tpu.memory_space<vmem_shared>>
      %dma_wait3A_92 = arith.constant 0 : i32
      %dma_wait3A_93 = tpu.memref_slice %arg10[%add3A_17, %dma_wait3A_92] : memref<10240x128xf32, #tpu.memory_space<vmem_shared>> -> memref<128x128xf32, #tpu.memory_space<vmem_shared>>
      tpu.wait_dma2 semaphore(%run_scoped3A : memref<!tpu.dma_semaphore, #tpu.memory_space<semaphore_mem>>) src(%arg9 : memref<128x128xf32, #tpu.memory_space<vmem>>) dst(%dma_wait3A_93 : memref<128x128xf32, #tpu.memory_space<vmem_shared>>)
      tpu.yield
    }) : () -> ()
    %mul3A_18 = arith.constant 640 : i32
    %mul3A_19 = arith.muli %arg1, %mul3A_18 : i32
    %add3A_20 = arith.constant 384 : i32
    %add3A_21 = arith.addi %mul3A_19, %add3A_20 : i32
    "tpu.region"() ({
      %run_scoped3A = tpu.sem_alloc : memref<!tpu.dma_semaphore, #tpu.memory_space<semaphore_mem>>
      %dma_start3A = arith.constant 0 : i32
      %dma_start3A_88 = tpu.memref_slice %arg10[%add3A_21, %dma_start3A] : memref<10240x128xf32, #tpu.memory_space<vmem_shared>> -> memref<128x128xf32, #tpu.memory_space<vmem_shared>>
      %dma_start3A_89 = arith.constant 0 : i32
      %dma_start3A_90 = tpu.memref_slice %arg10[%add3A_21, %dma_start3A_89] : memref<10240x128xf32, #tpu.memory_space<vmem_shared>> -> memref<128x128xf32, #tpu.memory_space<vmem_shared>>
      tpu.enqueue_dma source(%arg9 : memref<128x128xf32, #tpu.memory_space<vmem>>) target(%dma_start3A_90 : memref<128x128xf32, #tpu.memory_space<vmem_shared>>) target_semaphore(%run_scoped3A : memref<!tpu.dma_semaphore, #tpu.memory_space<semaphore_mem>>)
      %dma_wait3A = arith.constant 0 : i32
      %dma_wait3A_91 = tpu.memref_slice %arg10[%add3A_21, %dma_wait3A] : memref<10240x128xf32, #tpu.memory_space<vmem_shared>> -> memref<128x128xf32, #tpu.memory_space<vmem_shared>>
      %dma_wait3A_92 = arith.constant 0 : i32
      %dma_wait3A_93 = tpu.memref_slice %arg10[%add3A_21, %dma_wait3A_92] : memref<10240x128xf32, #tpu.memory_space<vmem_shared>> -> memref<128x128xf32, #tpu.memory_space<vmem_shared>>
      tpu.wait_dma2 semaphore(%run_scoped3A : memref<!tpu.dma_semaphore, #tpu.memory_space<semaphore_mem>>) src(%arg9 : memref<128x128xf32, #tpu.memory_space<vmem>>) dst(%dma_wait3A_93 : memref<128x128xf32, #tpu.memory_space<vmem_shared>>)
      tpu.yield
    }) : () -> ()
    %mul3A_22 = arith.constant 640 : i32
    %mul3A_23 = arith.muli %arg1, %mul3A_22 : i32
    %add3A_24 = arith.constant 512 : i32
    %add3A_25 = arith.addi %mul3A_23, %add3A_24 : i32
    "tpu.region"() ({
      %run_scoped3A = tpu.sem_alloc : memref<!tpu.dma_semaphore, #tpu.memory_space<semaphore_mem>>
      %dma_start3A = arith.constant 0 : i32
      %dma_start3A_88 = tpu.memref_slice %arg10[%add3A_25, %dma_start3A] : memref<10240x128xf32, #tpu.memory_space<vmem_shared>> -> memref<128x128xf32, #tpu.memory_space<vmem_shared>>
      %dma_start3A_89 = arith.constant 0 : i32
      %dma_start3A_90 = tpu.memref_slice %arg10[%add3A_25, %dma_start3A_89] : memref<10240x128xf32, #tpu.memory_space<vmem_shared>> -> memref<128x128xf32, #tpu.memory_space<vmem_shared>>
      tpu.enqueue_dma source(%arg9 : memref<128x128xf32, #tpu.memory_space<vmem>>) target(%dma_start3A_90 : memref<128x128xf32, #tpu.memory_space<vmem_shared>>) target_semaphore(%run_scoped3A : memref<!tpu.dma_semaphore, #tpu.memory_space<semaphore_mem>>)
      %dma_wait3A = arith.constant 0 : i32
      %dma_wait3A_91 = tpu.memref_slice %arg10[%add3A_25, %dma_wait3A] : memref<10240x128xf32, #tpu.memory_space<vmem_shared>> -> memref<128x128xf32, #tpu.memory_space<vmem_shared>>
      %dma_wait3A_92 = arith.constant 0 : i32
      %dma_wait3A_93 = tpu.memref_slice %arg10[%add3A_25, %dma_wait3A_92] : memref<10240x128xf32, #tpu.memory_space<vmem_shared>> -> memref<128x128xf32, #tpu.memory_space<vmem_shared>>
      tpu.wait_dma2 semaphore(%run_scoped3A : memref<!tpu.dma_semaphore, #tpu.memory_space<semaphore_mem>>) src(%arg9 : memref<128x128xf32, #tpu.memory_space<vmem>>) dst(%dma_wait3A_93 : memref<128x128xf32, #tpu.memory_space<vmem_shared>>)
      tpu.yield
    }) : () -> ()
    %barrier3A = arith.constant 0 : index
    tpu.barrier barrier_id(%barrier3A)
    %scan3A_26 = arith.constant 0 : i32
    %scan3A_27 = arith.constant 0 : i32
    %scan3A_28 = arith.constant 125 : i32
    %scan3A_29 = arith.addi %scan3A_27, %scan3A_28 : i32
    %scan3A_30 = arith.constant 1 : i32
    scf.for %scan3A_88 = %scan3A_27 to %scan3A_29 step %scan3A_30  : i32 {
      %mul3A_89 = arith.constant 10000 : i32
      %mul3A_90 = arith.muli %add3A, %mul3A_89 : i32
      %mul3A_91 = arith.constant 80 : i32
      %mul3A_92 = arith.muli %scan3A_88, %mul3A_91 : i32
      %add3A_93 = arith.addi %mul3A_90, %mul3A_92 : i32
      %multiple_of3A = tpu.assume_multiple %add3A_93, 8 : i32
      "tpu.region"() ({
        %run_scoped3A = tpu.sem_alloc : memref<!tpu.dma_semaphore, #tpu.memory_space<semaphore_mem>>
        %dma_start3A_98 = tpu.memref_slice %arg3[%multiple_of3A] : memref<320000xi32, #tpu.memory_space<hbm>> -> memref<80xi32, #tpu.memory_space<hbm>>
        %dma_start3A_99 = tpu.memref_slice %arg3[%multiple_of3A] : memref<320000xi32, #tpu.memory_space<hbm>> -> memref<80xi32, #tpu.memory_space<hbm>>
        tpu.enqueue_dma source(%dma_start3A_99 : memref<80xi32, #tpu.memory_space<hbm>>) target(%arg6 : memref<80xi32, #tpu.memory_space<vmem>>) target_semaphore(%run_scoped3A : memref<!tpu.dma_semaphore, #tpu.memory_space<semaphore_mem>>)
        %dma_wait3A_100 = tpu.memref_slice %arg3[%multiple_of3A] : memref<320000xi32, #tpu.memory_space<hbm>> -> memref<80xi32, #tpu.memory_space<hbm>>
        %dma_wait3A_101 = tpu.memref_slice %arg3[%multiple_of3A] : memref<320000xi32, #tpu.memory_space<hbm>> -> memref<80xi32, #tpu.memory_space<hbm>>
        tpu.wait_dma2 semaphore(%run_scoped3A : memref<!tpu.dma_semaphore, #tpu.memory_space<semaphore_mem>>) src(%dma_wait3A_101 : memref<80xi32, #tpu.memory_space<hbm>>) dst(%arg6 : memref<80xi32, #tpu.memory_space<vmem>>)
        tpu.yield
      }) : () -> ()
      "tpu.region"() ({
        %run_scoped3A = tpu.sem_alloc : memref<!tpu.dma_semaphore, #tpu.memory_space<semaphore_mem>>
        %dma_start3A_98 = tpu.memref_slice %arg4[%multiple_of3A] : memref<320000xi32, #tpu.memory_space<hbm>> -> memref<80xi32, #tpu.memory_space<hbm>>
        %dma_start3A_99 = tpu.memref_slice %arg4[%multiple_of3A] : memref<320000xi32, #tpu.memory_space<hbm>> -> memref<80xi32, #tpu.memory_space<hbm>>
        tpu.enqueue_dma source(%dma_start3A_99 : memref<80xi32, #tpu.memory_space<hbm>>) target(%arg7 : memref<80xi32, #tpu.memory_space<vmem>>) target_semaphore(%run_scoped3A : memref<!tpu.dma_semaphore, #tpu.memory_space<semaphore_mem>>)
        %dma_wait3A_100 = tpu.memref_slice %arg4[%multiple_of3A] : memref<320000xi32, #tpu.memory_space<hbm>> -> memref<80xi32, #tpu.memory_space<hbm>>
        %dma_wait3A_101 = tpu.memref_slice %arg4[%multiple_of3A] : memref<320000xi32, #tpu.memory_space<hbm>> -> memref<80xi32, #tpu.memory_space<hbm>>
        tpu.wait_dma2 semaphore(%run_scoped3A : memref<!tpu.dma_semaphore, #tpu.memory_space<semaphore_mem>>) src(%dma_wait3A_101 : memref<80xi32, #tpu.memory_space<hbm>>) dst(%arg7 : memref<80xi32, #tpu.memory_space<vmem>>)
        tpu.yield
      }) : () -> ()
      %dma_start3A = arith.constant 0 : i32
      %dma_start3A_94 = arith.constant 0 : i32
      %dma_start3A_95 = tpu.memref_slice %arg2[%dma_start3A, %dma_start3A_94] : memref<10000x128xf32, #tpu.memory_space<hbm>> -> memref<10000x128xf32, #tpu.memory_space<hbm>>
      tpu.enqueue_indirect_dma source(%dma_start3A_95 : memref<10000x128xf32, #tpu.memory_space<hbm>>) target(%arg8 : memref<80x128xf32, #tpu.memory_space<vmem>>) offsets(%arg6 : memref<80xi32, #tpu.memory_space<vmem>>) semaphore(%arg11 : memref<!tpu.dma_semaphore, #tpu.memory_space<semaphore_mem>>)
      %dma_wait3A = arith.constant 0 : i32
      %dma_wait3A_96 = arith.constant 0 : i32
      %dma_wait3A_97 = tpu.memref_slice %arg2[%dma_wait3A, %dma_wait3A_96] : memref<10000x128xf32, #tpu.memory_space<hbm>> -> memref<10000x128xf32, #tpu.memory_space<hbm>>
      tpu.wait_indirect_dma semaphore(%arg11 : memref<!tpu.dma_semaphore, #tpu.memory_space<semaphore_mem>>) src(%dma_wait3A_97 : memref<10000x128xf32, #tpu.memory_space<hbm>>) dst(%arg8 : memref<80x128xf32, #tpu.memory_space<vmem>>)
      "tpu.region"() ({
        %run_scoped3A = tpu.sem_alloc : memref<!tpu.dma_semaphore, #tpu.memory_space<semaphore_mem>>
        %dma_start3A_98 = arith.constant 0 : i32
        %dma_start3A_99 = arith.constant 0 : i32
        %dma_start3A_100 = tpu.memref_slice %arg10[%dma_start3A_98, %dma_start3A_99] : memref<10240x128xf32, #tpu.memory_space<vmem_shared>> -> memref<10240x128xf32, #tpu.memory_space<vmem_shared>>
        tpu.enqueue_indirect_dma source(%arg8 : memref<80x128xf32, #tpu.memory_space<vmem>>) target(%dma_start3A_100 : memref<10240x128xf32, #tpu.memory_space<vmem_shared>>) offsets(%arg7 : memref<80xi32, #tpu.memory_space<vmem>>) semaphore(%run_scoped3A : memref<!tpu.dma_semaphore, #tpu.memory_space<semaphore_mem>>) {add = true}
        %dma_wait3A_101 = arith.constant 0 : i32
        %dma_wait3A_102 = arith.constant 0 : i32
        %dma_wait3A_103 = tpu.memref_slice %arg10[%dma_wait3A_101, %dma_wait3A_102] : memref<10240x128xf32, #tpu.memory_space<vmem_shared>> -> memref<10240x128xf32, #tpu.memory_space<vmem_shared>>
        tpu.wait_indirect_dma semaphore(%run_scoped3A : memref<!tpu.dma_semaphore, #tpu.memory_space<semaphore_mem>>) src(%arg8 : memref<80x128xf32, #tpu.memory_space<vmem>>) dst(%dma_wait3A_103 : memref<10240x128xf32, #tpu.memory_space<vmem_shared>>)
        tpu.yield
      }) : () -> ()
    }
    %scan3A_31 = arith.constant 125 : i32
    %barrier3A_32 = arith.constant 0 : index
    tpu.barrier barrier_id(%barrier3A_32)
    %mul3A_33 = arith.constant 640 : i32
    %mul3A_34 = arith.muli %arg1, %mul3A_33 : i32
    %add3A_35 = arith.constant 0 : i32
    %add3A_36 = arith.addi %mul3A_34, %add3A_35 : i32
    %mul3A_37 = arith.constant 10240 : i32
    %mul3A_38 = arith.muli %arg0, %mul3A_37 : i32
    %mul3A_39 = arith.constant 640 : i32
    %mul3A_40 = arith.muli %arg1, %mul3A_39 : i32
    %add3A_41 = arith.addi %mul3A_38, %mul3A_40 : i32
    %add3A_42 = arith.constant 0 : i32
    %add3A_43 = arith.addi %add3A_41, %add3A_42 : i32
    "tpu.region"() ({
      %run_scoped3A = tpu.sem_alloc : memref<!tpu.dma_semaphore, #tpu.memory_space<semaphore_mem>>
      %dma_start3A = arith.constant 0 : i32
      %dma_start3A_88 = tpu.memref_slice %arg5[%add3A_43, %dma_start3A] : memref<20480x128xf32, #tpu.memory_space<hbm>> -> memref<128x128xf32, #tpu.memory_space<hbm>>
      %dma_start3A_89 = arith.constant 0 : i32
      %dma_start3A_90 = tpu.memref_slice %arg10[%add3A_36, %dma_start3A_89] : memref<10240x128xf32, #tpu.memory_space<vmem_shared>> -> memref<128x128xf32, #tpu.memory_space<vmem_shared>>
      tpu.enqueue_dma source(%dma_start3A_90 : memref<128x128xf32, #tpu.memory_space<vmem_shared>>) target(%dma_start3A_88 : memref<128x128xf32, #tpu.memory_space<hbm>>) target_semaphore(%run_scoped3A : memref<!tpu.dma_semaphore, #tpu.memory_space<semaphore_mem>>)
      %dma_wait3A = arith.constant 0 : i32
      %dma_wait3A_91 = tpu.memref_slice %arg5[%add3A_43, %dma_wait3A] : memref<20480x128xf32, #tpu.memory_space<hbm>> -> memref<128x128xf32, #tpu.memory_space<hbm>>
      %dma_wait3A_92 = arith.constant 0 : i32
      %dma_wait3A_93 = tpu.memref_slice %arg10[%add3A_36, %dma_wait3A_92] : memref<10240x128xf32, #tpu.memory_space<vmem_shared>> -> memref<128x128xf32, #tpu.memory_space<vmem_shared>>
      tpu.wait_dma2 semaphore(%run_scoped3A : memref<!tpu.dma_semaphore, #tpu.memory_space<semaphore_mem>>) src(%dma_wait3A_93 : memref<128x128xf32, #tpu.memory_space<vmem_shared>>) dst(%dma_wait3A_91 : memref<128x128xf32, #tpu.memory_space<hbm>>)
      tpu.yield
    }) : () -> ()
    %mul3A_44 = arith.constant 640 : i32
    %mul3A_45 = arith.muli %arg1, %mul3A_44 : i32
    %add3A_46 = arith.constant 128 : i32
    %add3A_47 = arith.addi %mul3A_45, %add3A_46 : i32
    %mul3A_48 = arith.constant 10240 : i32
    %mul3A_49 = arith.muli %arg0, %mul3A_48 : i32
    %mul3A_50 = arith.constant 640 : i32
    %mul3A_51 = arith.muli %arg1, %mul3A_50 : i32
    %add3A_52 = arith.addi %mul3A_49, %mul3A_51 : i32
    %add3A_53 = arith.constant 128 : i32
    %add3A_54 = arith.addi %add3A_52, %add3A_53 : i32
    "tpu.region"() ({
      %run_scoped3A = tpu.sem_alloc : memref<!tpu.dma_semaphore, #tpu.memory_space<semaphore_mem>>
      %dma_start3A = arith.constant 0 : i32
      %dma_start3A_88 = tpu.memref_slice %arg5[%add3A_54, %dma_start3A] : memref<20480x128xf32, #tpu.memory_space<hbm>> -> memref<128x128xf32, #tpu.memory_space<hbm>>
      %dma_start3A_89 = arith.constant 0 : i32
      %dma_start3A_90 = tpu.memref_slice %arg10[%add3A_47, %dma_start3A_89] : memref<10240x128xf32, #tpu.memory_space<vmem_shared>> -> memref<128x128xf32, #tpu.memory_space<vmem_shared>>
      tpu.enqueue_dma source(%dma_start3A_90 : memref<128x128xf32, #tpu.memory_space<vmem_shared>>) target(%dma_start3A_88 : memref<128x128xf32, #tpu.memory_space<hbm>>) target_semaphore(%run_scoped3A : memref<!tpu.dma_semaphore, #tpu.memory_space<semaphore_mem>>)
      %dma_wait3A = arith.constant 0 : i32
      %dma_wait3A_91 = tpu.memref_slice %arg5[%add3A_54, %dma_wait3A] : memref<20480x128xf32, #tpu.memory_space<hbm>> -> memref<128x128xf32, #tpu.memory_space<hbm>>
      %dma_wait3A_92 = arith.constant 0 : i32
      %dma_wait3A_93 = tpu.memref_slice %arg10[%add3A_47, %dma_wait3A_92] : memref<10240x128xf32, #tpu.memory_space<vmem_shared>> -> memref<128x128xf32, #tpu.memory_space<vmem_shared>>
      tpu.wait_dma2 semaphore(%run_scoped3A : memref<!tpu.dma_semaphore, #tpu.memory_space<semaphore_mem>>) src(%dma_wait3A_93 : memref<128x128xf32, #tpu.memory_space<vmem_shared>>) dst(%dma_wait3A_91 : memref<128x128xf32, #tpu.memory_space<hbm>>)
      tpu.yield
    }) : () -> ()
    %mul3A_55 = arith.constant 640 : i32
    %mul3A_56 = arith.muli %arg1, %mul3A_55 : i32
    %add3A_57 = arith.constant 256 : i32
    %add3A_58 = arith.addi %mul3A_56, %add3A_57 : i32
    %mul3A_59 = arith.constant 10240 : i32
    %mul3A_60 = arith.muli %arg0, %mul3A_59 : i32
    %mul3A_61 = arith.constant 640 : i32
    %mul3A_62 = arith.muli %arg1, %mul3A_61 : i32
    %add3A_63 = arith.addi %mul3A_60, %mul3A_62 : i32
    %add3A_64 = arith.constant 256 : i32
    %add3A_65 = arith.addi %add3A_63, %add3A_64 : i32
    "tpu.region"() ({
      %run_scoped3A = tpu.sem_alloc : memref<!tpu.dma_semaphore, #tpu.memory_space<semaphore_mem>>
      %dma_start3A = arith.constant 0 : i32
      %dma_start3A_88 = tpu.memref_slice %arg5[%add3A_65, %dma_start3A] : memref<20480x128xf32, #tpu.memory_space<hbm>> -> memref<128x128xf32, #tpu.memory_space<hbm>>
      %dma_start3A_89 = arith.constant 0 : i32
      %dma_start3A_90 = tpu.memref_slice %arg10[%add3A_58, %dma_start3A_89] : memref<10240x128xf32, #tpu.memory_space<vmem_shared>> -> memref<128x128xf32, #tpu.memory_space<vmem_shared>>
      tpu.enqueue_dma source(%dma_start3A_90 : memref<128x128xf32, #tpu.memory_space<vmem_shared>>) target(%dma_start3A_88 : memref<128x128xf32, #tpu.memory_space<hbm>>) target_semaphore(%run_scoped3A : memref<!tpu.dma_semaphore, #tpu.memory_space<semaphore_mem>>)
      %dma_wait3A = arith.constant 0 : i32
      %dma_wait3A_91 = tpu.memref_slice %arg5[%add3A_65, %dma_wait3A] : memref<20480x128xf32, #tpu.memory_space<hbm>> -> memref<128x128xf32, #tpu.memory_space<hbm>>
      %dma_wait3A_92 = arith.constant 0 : i32
      %dma_wait3A_93 = tpu.memref_slice %arg10[%add3A_58, %dma_wait3A_92] : memref<10240x128xf32, #tpu.memory_space<vmem_shared>> -> memref<128x128xf32, #tpu.memory_space<vmem_shared>>
      tpu.wait_dma2 semaphore(%run_scoped3A : memref<!tpu.dma_semaphore, #tpu.memory_space<semaphore_mem>>) src(%dma_wait3A_93 : memref<128x128xf32, #tpu.memory_space<vmem_shared>>) dst(%dma_wait3A_91 : memref<128x128xf32, #tpu.memory_space<hbm>>)
      tpu.yield
    }) : () -> ()
    %mul3A_66 = arith.constant 640 : i32
    %mul3A_67 = arith.muli %arg1, %mul3A_66 : i32
    %add3A_68 = arith.constant 384 : i32
    %add3A_69 = arith.addi %mul3A_67, %add3A_68 : i32
    %mul3A_70 = arith.constant 10240 : i32
    %mul3A_71 = arith.muli %arg0, %mul3A_70 : i32
    %mul3A_72 = arith.constant 640 : i32
    %mul3A_73 = arith.muli %arg1, %mul3A_72 : i32
    %add3A_74 = arith.addi %mul3A_71, %mul3A_73 : i32
    %add3A_75 = arith.constant 384 : i32
    %add3A_76 = arith.addi %add3A_74, %add3A_75 : i32
    "tpu.region"() ({
      %run_scoped3A = tpu.sem_alloc : memref<!tpu.dma_semaphore, #tpu.memory_space<semaphore_mem>>
      %dma_start3A = arith.constant 0 : i32
      %dma_start3A_88 = tpu.memref_slice %arg5[%add3A_76, %dma_start3A] : memref<20480x128xf32, #tpu.memory_space<hbm>> -> memref<128x128xf32, #tpu.memory_space<hbm>>
      %dma_start3A_89 = arith.constant 0 : i32
      %dma_start3A_90 = tpu.memref_slice %arg10[%add3A_69, %dma_start3A_89] : memref<10240x128xf32, #tpu.memory_space<vmem_shared>> -> memref<128x128xf32, #tpu.memory_space<vmem_shared>>
      tpu.enqueue_dma source(%dma_start3A_90 : memref<128x128xf32, #tpu.memory_space<vmem_shared>>) target(%dma_start3A_88 : memref<128x128xf32, #tpu.memory_space<hbm>>) target_semaphore(%run_scoped3A : memref<!tpu.dma_semaphore, #tpu.memory_space<semaphore_mem>>)
      %dma_wait3A = arith.constant 0 : i32
      %dma_wait3A_91 = tpu.memref_slice %arg5[%add3A_76, %dma_wait3A] : memref<20480x128xf32, #tpu.memory_space<hbm>> -> memref<128x128xf32, #tpu.memory_space<hbm>>
      %dma_wait3A_92 = arith.constant 0 : i32
      %dma_wait3A_93 = tpu.memref_slice %arg10[%add3A_69, %dma_wait3A_92] : memref<10240x128xf32, #tpu.memory_space<vmem_shared>> -> memref<128x128xf32, #tpu.memory_space<vmem_shared>>
      tpu.wait_dma2 semaphore(%run_scoped3A : memref<!tpu.dma_semaphore, #tpu.memory_space<semaphore_mem>>) src(%dma_wait3A_93 : memref<128x128xf32, #tpu.memory_space<vmem_shared>>) dst(%dma_wait3A_91 : memref<128x128xf32, #tpu.memory_space<hbm>>)
      tpu.yield
    }) : () -> ()
    %mul3A_77 = arith.constant 640 : i32
    %mul3A_78 = arith.muli %arg1, %mul3A_77 : i32
    %add3A_79 = arith.constant 512 : i32
    %add3A_80 = arith.addi %mul3A_78, %add3A_79 : i32
    %mul3A_81 = arith.constant 10240 : i32
    %mul3A_82 = arith.muli %arg0, %mul3A_81 : i32
    %mul3A_83 = arith.constant 640 : i32
    %mul3A_84 = arith.muli %arg1, %mul3A_83 : i32
    %add3A_85 = arith.addi %mul3A_82, %mul3A_84 : i32
    %add3A_86 = arith.constant 512 : i32
    %add3A_87 = arith.addi %add3A_85, %add3A_86 : i32
    "tpu.region"() ({
      %run_scoped3A = tpu.sem_alloc : memref<!tpu.dma_semaphore, #tpu.memory_space<semaphore_mem>>
      %dma_start3A = arith.constant 0 : i32
      %dma_start3A_88 = tpu.memref_slice %arg5[%add3A_87, %dma_start3A] : memref<20480x128xf32, #tpu.memory_space<hbm>> -> memref<128x128xf32, #tpu.memory_space<hbm>>
      %dma_start3A_89 = arith.constant 0 : i32
      %dma_start3A_90 = tpu.memref_slice %arg10[%add3A_80, %dma_start3A_89] : memref<10240x128xf32, #tpu.memory_space<vmem_shared>> -> memref<128x128xf32, #tpu.memory_space<vmem_shared>>
      tpu.enqueue_dma source(%dma_start3A_90 : memref<128x128xf32, #tpu.memory_space<vmem_shared>>) target(%dma_start3A_88 : memref<128x128xf32, #tpu.memory_space<hbm>>) target_semaphore(%run_scoped3A : memref<!tpu.dma_semaphore, #tpu.memory_space<semaphore_mem>>)
      %dma_wait3A = arith.constant 0 : i32
      %dma_wait3A_91 = tpu.memref_slice %arg5[%add3A_87, %dma_wait3A] : memref<20480x128xf32, #tpu.memory_space<hbm>> -> memref<128x128xf32, #tpu.memory_space<hbm>>
      %dma_wait3A_92 = arith.constant 0 : i32
      %dma_wait3A_93 = tpu.memref_slice %arg10[%add3A_80, %dma_wait3A_92] : memref<10240x128xf32, #tpu.memory_space<vmem_shared>> -> memref<128x128xf32, #tpu.memory_space<vmem_shared>>
      tpu.wait_dma2 semaphore(%run_scoped3A : memref<!tpu.dma_semaphore, #tpu.memory_space<semaphore_mem>>) src(%dma_wait3A_93 : memref<128x128xf32, #tpu.memory_space<vmem_shared>>) dst(%dma_wait3A_91 : memref<128x128xf32, #tpu.memory_space<hbm>>)
      tpu.yield
    }) : () -> ()
    return
  }
}

#map = affine_map<(d0, d1) -> (0, 0)>
#map1 = affine_map<(d0, d1) -> (0)>
module attributes {stable_mosaic.version = 14 : i64} {
  func.func @_sc_pass1(%arg0: i32, %arg1: i32, %arg2: memref<10000x128xf32, #tpu.memory_space<hbm>>, %arg3: memref<10000xf32, #tpu.memory_space<hbm>>, %arg4: memref<320000xi32, #tpu.memory_space<hbm>>, %arg5: memref<320000xi32, #tpu.memory_space<hbm>>, %arg6: memref<20480x128xf32, #tpu.memory_space<hbm>>, %arg7: memref<20480xf32, #tpu.memory_space<hbm>>, %arg8: memref<80xi32, #tpu.memory_space<vmem>>, %arg9: memref<80xi32, #tpu.memory_space<vmem>>, %arg10: memref<80x128xf32, #tpu.memory_space<vmem>>, %arg11: memref<80xf32, #tpu.memory_space<vmem>>, %arg12: memref<128x128xf32, #tpu.memory_space<vmem>>, %arg13: memref<10240x128xf32, #tpu.memory_space<vmem_shared>>, %arg14: memref<10240xf32, #tpu.memory_space<vmem_shared>>, %arg15: memref<!tpu.dma_semaphore, #tpu.memory_space<semaphore_mem>>, %arg16: memref<!tpu.dma_semaphore, #tpu.memory_space<semaphore_mem>>) attributes {dimension_semantics = [#tpu.dimension_semantics<core_parallel>, #tpu.dimension_semantics<subcore_parallel>], iteration_bounds = array<i64: 2, 16>, scalar_prefetch = 0 : i64, scratch_operands = 9 : i64, tpu.core_type = #tpu.core_type<sc_vector_subcore>, window_params = [{transform_indices = #map}, {transform_indices = #map1}, {transform_indices = #map1}, {transform_indices = #map1}, {transform_indices = #map}, {transform_indices = #map1}]} {
    %mul3A = arith.constant 2 : i32
    %mul3A_0 = arith.muli %arg1, %mul3A : i32
    %add3A = arith.addi %mul3A_0, %arg0 : i32
    %scan3A = arith.constant 0 : i32
    %scan3A_1 = arith.constant 0 : i32
    %scan3A_2 = arith.constant 128 : i32
    %scan3A_3 = arith.addi %scan3A_1, %scan3A_2 : i32
    %scan3A_4 = arith.constant 1 : i32
    scf.for %scan3A_133 = %scan3A_1 to %scan3A_3 step %scan3A_4  : i32 {
      %broadcast_in_dim3A = arith.constant 0.000000e+00 : f32
      %broadcast_in_dim3A_134 = vector.broadcast %broadcast_in_dim3A : f32 to vector<16xf32>
      %swap3A = arith.index_cast %scan3A_133 : i32 to index
      %swap3A_135 = arith.constant 0 : index
      %swap3A_136 = tpu.vector_load %arg12[%swap3A, %swap3A_135] {strides = array<i32>} : memref<128x128xf32, #tpu.memory_space<vmem>>, vector<1x16xf32>,
      %swap3A_137 = vector.shape_cast %swap3A_136 : vector<1x16xf32> to vector<16xf32>
      %swap3A_138 = vector.shape_cast %broadcast_in_dim3A_134 : vector<16xf32> to vector<1x16xf32>
      tpu.vector_store %arg12[%swap3A, %swap3A_135], %swap3A_138 {strides = array<i32>} : memref<128x128xf32, #tpu.memory_space<vmem>>, vector<1x16xf32>,
      %broadcast_in_dim3A_139 = arith.constant 0.000000e+00 : f32
      %broadcast_in_dim3A_140 = vector.broadcast %broadcast_in_dim3A_139 : f32 to vector<16xf32>
      %swap3A_141 = arith.index_cast %scan3A_133 : i32 to index
      %swap3A_142 = arith.constant 16 : index
      %swap3A_143 = tpu.vector_load %arg12[%swap3A_141, %swap3A_142] {strides = array<i32>} : memref<128x128xf32, #tpu.memory_space<vmem>>, vector<1x16xf32>,
      %swap3A_144 = vector.shape_cast %swap3A_143 : vector<1x16xf32> to vector<16xf32>
      %swap3A_145 = vector.shape_cast %broadcast_in_dim3A_140 : vector<16xf32> to vector<1x16xf32>
      tpu.vector_store %arg12[%swap3A_141, %swap3A_142], %swap3A_145 {strides = array<i32>} : memref<128x128xf32, #tpu.memory_space<vmem>>, vector<1x16xf32>,
      %broadcast_in_dim3A_146 = arith.constant 0.000000e+00 : f32
      %broadcast_in_dim3A_147 = vector.broadcast %broadcast_in_dim3A_146 : f32 to vector<16xf32>
      %swap3A_148 = arith.index_cast %scan3A_133 : i32 to index
      %swap3A_149 = arith.constant 32 : index
      %swap3A_150 = tpu.vector_load %arg12[%swap3A_148, %swap3A_149] {strides = array<i32>} : memref<128x128xf32, #tpu.memory_space<vmem>>, vector<1x16xf32>,
      %swap3A_151 = vector.shape_cast %swap3A_150 : vector<1x16xf32> to vector<16xf32>
      %swap3A_152 = vector.shape_cast %broadcast_in_dim3A_147 : vector<16xf32> to vector<1x16xf32>
      tpu.vector_store %arg12[%swap3A_148, %swap3A_149], %swap3A_152 {strides = array<i32>} : memref<128x128xf32, #tpu.memory_space<vmem>>, vector<1x16xf32>,
      %broadcast_in_dim3A_153 = arith.constant 0.000000e+00 : f32
      %broadcast_in_dim3A_154 = vector.broadcast %broadcast_in_dim3A_153 : f32 to vector<16xf32>
      %swap3A_155 = arith.index_cast %scan3A_133 : i32 to index
      %swap3A_156 = arith.constant 48 : index
      %swap3A_157 = tpu.vector_load %arg12[%swap3A_155, %swap3A_156] {strides = array<i32>} : memref<128x128xf32, #tpu.memory_space<vmem>>, vector<1x16xf32>,
      %swap3A_158 = vector.shape_cast %swap3A_157 : vector<1x16xf32> to vector<16xf32>
      %swap3A_159 = vector.shape_cast %broadcast_in_dim3A_154 : vector<16xf32> to vector<1x16xf32>
      tpu.vector_store %arg12[%swap3A_155, %swap3A_156], %swap3A_159 {strides = array<i32>} : memref<128x128xf32, #tpu.memory_space<vmem>>, vector<1x16xf32>,
      %broadcast_in_dim3A_160 = arith.constant 0.000000e+00 : f32
      %broadcast_in_dim3A_161 = vector.broadcast %broadcast_in_dim3A_160 : f32 to vector<16xf32>
      %swap3A_162 = arith.index_cast %scan3A_133 : i32 to index
      %swap3A_163 = arith.constant 64 : index
      %swap3A_164 = tpu.vector_load %arg12[%swap3A_162, %swap3A_163] {strides = array<i32>} : memref<128x128xf32, #tpu.memory_space<vmem>>, vector<1x16xf32>,
      %swap3A_165 = vector.shape_cast %swap3A_164 : vector<1x16xf32> to vector<16xf32>
      %swap3A_166 = vector.shape_cast %broadcast_in_dim3A_161 : vector<16xf32> to vector<1x16xf32>
      tpu.vector_store %arg12[%swap3A_162, %swap3A_163], %swap3A_166 {strides = array<i32>} : memref<128x128xf32, #tpu.memory_space<vmem>>, vector<1x16xf32>,
      %broadcast_in_dim3A_167 = arith.constant 0.000000e+00 : f32
      %broadcast_in_dim3A_168 = vector.broadcast %broadcast_in_dim3A_167 : f32 to vector<16xf32>
      %swap3A_169 = arith.index_cast %scan3A_133 : i32 to index
      %swap3A_170 = arith.constant 80 : index
      %swap3A_171 = tpu.vector_load %arg12[%swap3A_169, %swap3A_170] {strides = array<i32>} : memref<128x128xf32, #tpu.memory_space<vmem>>, vector<1x16xf32>,
      %swap3A_172 = vector.shape_cast %swap3A_171 : vector<1x16xf32> to vector<16xf32>
      %swap3A_173 = vector.shape_cast %broadcast_in_dim3A_168 : vector<16xf32> to vector<1x16xf32>
      tpu.vector_store %arg12[%swap3A_169, %swap3A_170], %swap3A_173 {strides = array<i32>} : memref<128x128xf32, #tpu.memory_space<vmem>>, vector<1x16xf32>,
      %broadcast_in_dim3A_174 = arith.constant 0.000000e+00 : f32
      %broadcast_in_dim3A_175 = vector.broadcast %broadcast_in_dim3A_174 : f32 to vector<16xf32>
      %swap3A_176 = arith.index_cast %scan3A_133 : i32 to index
      %swap3A_177 = arith.constant 96 : index
      %swap3A_178 = tpu.vector_load %arg12[%swap3A_176, %swap3A_177] {strides = array<i32>} : memref<128x128xf32, #tpu.memory_space<vmem>>, vector<1x16xf32>,
      %swap3A_179 = vector.shape_cast %swap3A_178 : vector<1x16xf32> to vector<16xf32>
      %swap3A_180 = vector.shape_cast %broadcast_in_dim3A_175 : vector<16xf32> to vector<1x16xf32>
      tpu.vector_store %arg12[%swap3A_176, %swap3A_177], %swap3A_180 {strides = array<i32>} : memref<128x128xf32, #tpu.memory_space<vmem>>, vector<1x16xf32>,
      %broadcast_in_dim3A_181 = arith.constant 0.000000e+00 : f32
      %broadcast_in_dim3A_182 = vector.broadcast %broadcast_in_dim3A_181 : f32 to vector<16xf32>
      %swap3A_183 = arith.index_cast %scan3A_133 : i32 to index
      %swap3A_184 = arith.constant 112 : index
      %swap3A_185 = tpu.vector_load %arg12[%swap3A_183, %swap3A_184] {strides = array<i32>} : memref<128x128xf32, #tpu.memory_space<vmem>>, vector<1x16xf32>,
      %swap3A_186 = vector.shape_cast %swap3A_185 : vector<1x16xf32> to vector<16xf32>
      %swap3A_187 = vector.shape_cast %broadcast_in_dim3A_182 : vector<16xf32> to vector<1x16xf32>
      tpu.vector_store %arg12[%swap3A_183, %swap3A_184], %swap3A_187 {strides = array<i32>} : memref<128x128xf32, #tpu.memory_space<vmem>>, vector<1x16xf32>,
    }
    %scan3A_5 = arith.constant 128 : i32
    %scan3A_6 = arith.constant 0 : i32
    %scan3A_7 = arith.constant 0 : i32
    %scan3A_8 = arith.constant 5 : i32
    %scan3A_9 = arith.addi %scan3A_7, %scan3A_8 : i32
    %scan3A_10 = arith.constant 1 : i32
    scf.for %scan3A_133 = %scan3A_7 to %scan3A_9 step %scan3A_10  : i32 {
      %broadcast_in_dim3A = arith.constant 0.000000e+00 : f32
      %broadcast_in_dim3A_134 = vector.broadcast %broadcast_in_dim3A : f32 to vector<16xf32>
      %mul3A_135 = arith.constant 16 : i32
      %mul3A_136 = arith.muli %scan3A_133, %mul3A_135 : i32
      %swap3A = arith.index_cast %mul3A_136 : i32 to index
      %swap3A_137 = tpu.vector_load %arg11[%swap3A] {strides = array<i32>} : memref<80xf32, #tpu.memory_space<vmem>>, vector<16xf32>,
      %swap3A_138 = vector.shape_cast %swap3A_137 : vector<16xf32> to vector<16xf32>
      %swap3A_139 = vector.shape_cast %broadcast_in_dim3A_134 : vector<16xf32> to vector<16xf32>
      tpu.vector_store %arg11[%swap3A], %swap3A_139 {strides = array<i32>} : memref<80xf32, #tpu.memory_space<vmem>>, vector<16xf32>,
    }
    %scan3A_11 = arith.constant 5 : i32
    %mul3A_12 = arith.constant 640 : i32
    %mul3A_13 = arith.muli %arg1, %mul3A_12 : i32
    %add3A_14 = arith.constant 0 : i32
    %add3A_15 = arith.addi %mul3A_13, %add3A_14 : i32
    "tpu.region"() ({
      %run_scoped3A = tpu.sem_alloc : memref<!tpu.dma_semaphore, #tpu.memory_space<semaphore_mem>>
      %dma_start3A = arith.constant 0 : i32
      %dma_start3A_133 = tpu.memref_slice %arg13[%add3A_15, %dma_start3A] : memref<10240x128xf32, #tpu.memory_space<vmem_shared>> -> memref<128x128xf32, #tpu.memory_space<vmem_shared>>
      %dma_start3A_134 = arith.constant 0 : i32
      %dma_start3A_135 = tpu.memref_slice %arg13[%add3A_15, %dma_start3A_134] : memref<10240x128xf32, #tpu.memory_space<vmem_shared>> -> memref<128x128xf32, #tpu.memory_space<vmem_shared>>
      tpu.enqueue_dma source(%arg12 : memref<128x128xf32, #tpu.memory_space<vmem>>) target(%dma_start3A_135 : memref<128x128xf32, #tpu.memory_space<vmem_shared>>) target_semaphore(%run_scoped3A : memref<!tpu.dma_semaphore, #tpu.memory_space<semaphore_mem>>)
      %dma_wait3A = arith.constant 0 : i32
      %dma_wait3A_136 = tpu.memref_slice %arg13[%add3A_15, %dma_wait3A] : memref<10240x128xf32, #tpu.memory_space<vmem_shared>> -> memref<128x128xf32, #tpu.memory_space<vmem_shared>>
      %dma_wait3A_137 = arith.constant 0 : i32
      %dma_wait3A_138 = tpu.memref_slice %arg13[%add3A_15, %dma_wait3A_137] : memref<10240x128xf32, #tpu.memory_space<vmem_shared>> -> memref<128x128xf32, #tpu.memory_space<vmem_shared>>
      tpu.wait_dma2 semaphore(%run_scoped3A : memref<!tpu.dma_semaphore, #tpu.memory_space<semaphore_mem>>) src(%arg12 : memref<128x128xf32, #tpu.memory_space<vmem>>) dst(%dma_wait3A_138 : memref<128x128xf32, #tpu.memory_space<vmem_shared>>)
      tpu.yield
    }) : () -> ()
    %mul3A_16 = arith.constant 640 : i32
    %mul3A_17 = arith.muli %arg1, %mul3A_16 : i32
    %add3A_18 = arith.constant 128 : i32
    %add3A_19 = arith.addi %mul3A_17, %add3A_18 : i32
    "tpu.region"() ({
      %run_scoped3A = tpu.sem_alloc : memref<!tpu.dma_semaphore, #tpu.memory_space<semaphore_mem>>
      %dma_start3A = arith.constant 0 : i32
      %dma_start3A_133 = tpu.memref_slice %arg13[%add3A_19, %dma_start3A] : memref<10240x128xf32, #tpu.memory_space<vmem_shared>> -> memref<128x128xf32, #tpu.memory_space<vmem_shared>>
      %dma_start3A_134 = arith.constant 0 : i32
      %dma_start3A_135 = tpu.memref_slice %arg13[%add3A_19, %dma_start3A_134] : memref<10240x128xf32, #tpu.memory_space<vmem_shared>> -> memref<128x128xf32, #tpu.memory_space<vmem_shared>>
      tpu.enqueue_dma source(%arg12 : memref<128x128xf32, #tpu.memory_space<vmem>>) target(%dma_start3A_135 : memref<128x128xf32, #tpu.memory_space<vmem_shared>>) target_semaphore(%run_scoped3A : memref<!tpu.dma_semaphore, #tpu.memory_space<semaphore_mem>>)
      %dma_wait3A = arith.constant 0 : i32
      %dma_wait3A_136 = tpu.memref_slice %arg13[%add3A_19, %dma_wait3A] : memref<10240x128xf32, #tpu.memory_space<vmem_shared>> -> memref<128x128xf32, #tpu.memory_space<vmem_shared>>
      %dma_wait3A_137 = arith.constant 0 : i32
      %dma_wait3A_138 = tpu.memref_slice %arg13[%add3A_19, %dma_wait3A_137] : memref<10240x128xf32, #tpu.memory_space<vmem_shared>> -> memref<128x128xf32, #tpu.memory_space<vmem_shared>>
      tpu.wait_dma2 semaphore(%run_scoped3A : memref<!tpu.dma_semaphore, #tpu.memory_space<semaphore_mem>>) src(%arg12 : memref<128x128xf32, #tpu.memory_space<vmem>>) dst(%dma_wait3A_138 : memref<128x128xf32, #tpu.memory_space<vmem_shared>>)
      tpu.yield
    }) : () -> ()
    %mul3A_20 = arith.constant 640 : i32
    %mul3A_21 = arith.muli %arg1, %mul3A_20 : i32
    %add3A_22 = arith.constant 256 : i32
    %add3A_23 = arith.addi %mul3A_21, %add3A_22 : i32
    "tpu.region"() ({
      %run_scoped3A = tpu.sem_alloc : memref<!tpu.dma_semaphore, #tpu.memory_space<semaphore_mem>>
      %dma_start3A = arith.constant 0 : i32
      %dma_start3A_133 = tpu.memref_slice %arg13[%add3A_23, %dma_start3A] : memref<10240x128xf32, #tpu.memory_space<vmem_shared>> -> memref<128x128xf32, #tpu.memory_space<vmem_shared>>
      %dma_start3A_134 = arith.constant 0 : i32
      %dma_start3A_135 = tpu.memref_slice %arg13[%add3A_23, %dma_start3A_134] : memref<10240x128xf32, #tpu.memory_space<vmem_shared>> -> memref<128x128xf32, #tpu.memory_space<vmem_shared>>
      tpu.enqueue_dma source(%arg12 : memref<128x128xf32, #tpu.memory_space<vmem>>) target(%dma_start3A_135 : memref<128x128xf32, #tpu.memory_space<vmem_shared>>) target_semaphore(%run_scoped3A : memref<!tpu.dma_semaphore, #tpu.memory_space<semaphore_mem>>)
      %dma_wait3A = arith.constant 0 : i32
      %dma_wait3A_136 = tpu.memref_slice %arg13[%add3A_23, %dma_wait3A] : memref<10240x128xf32, #tpu.memory_space<vmem_shared>> -> memref<128x128xf32, #tpu.memory_space<vmem_shared>>
      %dma_wait3A_137 = arith.constant 0 : i32
      %dma_wait3A_138 = tpu.memref_slice %arg13[%add3A_23, %dma_wait3A_137] : memref<10240x128xf32, #tpu.memory_space<vmem_shared>> -> memref<128x128xf32, #tpu.memory_space<vmem_shared>>
      tpu.wait_dma2 semaphore(%run_scoped3A : memref<!tpu.dma_semaphore, #tpu.memory_space<semaphore_mem>>) src(%arg12 : memref<128x128xf32, #tpu.memory_space<vmem>>) dst(%dma_wait3A_138 : memref<128x128xf32, #tpu.memory_space<vmem_shared>>)
      tpu.yield
    }) : () -> ()
    %mul3A_24 = arith.constant 640 : i32
    %mul3A_25 = arith.muli %arg1, %mul3A_24 : i32
    %add3A_26 = arith.constant 384 : i32
    %add3A_27 = arith.addi %mul3A_25, %add3A_26 : i32
    "tpu.region"() ({
      %run_scoped3A = tpu.sem_alloc : memref<!tpu.dma_semaphore, #tpu.memory_space<semaphore_mem>>
      %dma_start3A = arith.constant 0 : i32
      %dma_start3A_133 = tpu.memref_slice %arg13[%add3A_27, %dma_start3A] : memref<10240x128xf32, #tpu.memory_space<vmem_shared>> -> memref<128x128xf32, #tpu.memory_space<vmem_shared>>
      %dma_start3A_134 = arith.constant 0 : i32
      %dma_start3A_135 = tpu.memref_slice %arg13[%add3A_27, %dma_start3A_134] : memref<10240x128xf32, #tpu.memory_space<vmem_shared>> -> memref<128x128xf32, #tpu.memory_space<vmem_shared>>
      tpu.enqueue_dma source(%arg12 : memref<128x128xf32, #tpu.memory_space<vmem>>) target(%dma_start3A_135 : memref<128x128xf32, #tpu.memory_space<vmem_shared>>) target_semaphore(%run_scoped3A : memref<!tpu.dma_semaphore, #tpu.memory_space<semaphore_mem>>)
      %dma_wait3A = arith.constant 0 : i32
      %dma_wait3A_136 = tpu.memref_slice %arg13[%add3A_27, %dma_wait3A] : memref<10240x128xf32, #tpu.memory_space<vmem_shared>> -> memref<128x128xf32, #tpu.memory_space<vmem_shared>>
      %dma_wait3A_137 = arith.constant 0 : i32
      %dma_wait3A_138 = tpu.memref_slice %arg13[%add3A_27, %dma_wait3A_137] : memref<10240x128xf32, #tpu.memory_space<vmem_shared>> -> memref<128x128xf32, #tpu.memory_space<vmem_shared>>
      tpu.wait_dma2 semaphore(%run_scoped3A : memref<!tpu.dma_semaphore, #tpu.memory_space<semaphore_mem>>) src(%arg12 : memref<128x128xf32, #tpu.memory_space<vmem>>) dst(%dma_wait3A_138 : memref<128x128xf32, #tpu.memory_space<vmem_shared>>)
      tpu.yield
    }) : () -> ()
    %mul3A_28 = arith.constant 640 : i32
    %mul3A_29 = arith.muli %arg1, %mul3A_28 : i32
    %add3A_30 = arith.constant 512 : i32
    %add3A_31 = arith.addi %mul3A_29, %add3A_30 : i32
    "tpu.region"() ({
      %run_scoped3A = tpu.sem_alloc : memref<!tpu.dma_semaphore, #tpu.memory_space<semaphore_mem>>
      %dma_start3A = arith.constant 0 : i32
      %dma_start3A_133 = tpu.memref_slice %arg13[%add3A_31, %dma_start3A] : memref<10240x128xf32, #tpu.memory_space<vmem_shared>> -> memref<128x128xf32, #tpu.memory_space<vmem_shared>>
      %dma_start3A_134 = arith.constant 0 : i32
      %dma_start3A_135 = tpu.memref_slice %arg13[%add3A_31, %dma_start3A_134] : memref<10240x128xf32, #tpu.memory_space<vmem_shared>> -> memref<128x128xf32, #tpu.memory_space<vmem_shared>>
      tpu.enqueue_dma source(%arg12 : memref<128x128xf32, #tpu.memory_space<vmem>>) target(%dma_start3A_135 : memref<128x128xf32, #tpu.memory_space<vmem_shared>>) target_semaphore(%run_scoped3A : memref<!tpu.dma_semaphore, #tpu.memory_space<semaphore_mem>>)
      %dma_wait3A = arith.constant 0 : i32
      %dma_wait3A_136 = tpu.memref_slice %arg13[%add3A_31, %dma_wait3A] : memref<10240x128xf32, #tpu.memory_space<vmem_shared>> -> memref<128x128xf32, #tpu.memory_space<vmem_shared>>
      %dma_wait3A_137 = arith.constant 0 : i32
      %dma_wait3A_138 = tpu.memref_slice %arg13[%add3A_31, %dma_wait3A_137] : memref<10240x128xf32, #tpu.memory_space<vmem_shared>> -> memref<128x128xf32, #tpu.memory_space<vmem_shared>>
      tpu.wait_dma2 semaphore(%run_scoped3A : memref<!tpu.dma_semaphore, #tpu.memory_space<semaphore_mem>>) src(%arg12 : memref<128x128xf32, #tpu.memory_space<vmem>>) dst(%dma_wait3A_138 : memref<128x128xf32, #tpu.memory_space<vmem_shared>>)
      tpu.yield
    }) : () -> ()
    %mul3A_32 = arith.constant 640 : i32
    %mul3A_33 = arith.muli %arg1, %mul3A_32 : i32
    %add3A_34 = arith.constant 0 : i32
    %add3A_35 = arith.addi %mul3A_33, %add3A_34 : i32
    "tpu.region"() ({
      %run_scoped3A = tpu.sem_alloc : memref<!tpu.dma_semaphore, #tpu.memory_space<semaphore_mem>>
      %dma_start3A = tpu.memref_slice %arg14[%add3A_35] : memref<10240xf32, #tpu.memory_space<vmem_shared>> -> memref<80xf32, #tpu.memory_space<vmem_shared>>
      %dma_start3A_133 = tpu.memref_slice %arg14[%add3A_35] : memref<10240xf32, #tpu.memory_space<vmem_shared>> -> memref<80xf32, #tpu.memory_space<vmem_shared>>
      tpu.enqueue_dma source(%arg11 : memref<80xf32, #tpu.memory_space<vmem>>) target(%dma_start3A_133 : memref<80xf32, #tpu.memory_space<vmem_shared>>) target_semaphore(%run_scoped3A : memref<!tpu.dma_semaphore, #tpu.memory_space<semaphore_mem>>)
      %dma_wait3A = tpu.memref_slice %arg14[%add3A_35] : memref<10240xf32, #tpu.memory_space<vmem_shared>> -> memref<80xf32, #tpu.memory_space<vmem_shared>>
      %dma_wait3A_134 = tpu.memref_slice %arg14[%add3A_35] : memref<10240xf32, #tpu.memory_space<vmem_shared>> -> memref<80xf32, #tpu.memory_space<vmem_shared>>
      tpu.wait_dma2 semaphore(%run_scoped3A : memref<!tpu.dma_semaphore, #tpu.memory_space<semaphore_mem>>) src(%arg11 : memref<80xf32, #tpu.memory_space<vmem>>) dst(%dma_wait3A_134 : memref<80xf32, #tpu.memory_space<vmem_shared>>)
      tpu.yield
    }) : () -> ()
    %mul3A_36 = arith.constant 640 : i32
    %mul3A_37 = arith.muli %arg1, %mul3A_36 : i32
    %add3A_38 = arith.constant 80 : i32
    %add3A_39 = arith.addi %mul3A_37, %add3A_38 : i32
    "tpu.region"() ({
      %run_scoped3A = tpu.sem_alloc : memref<!tpu.dma_semaphore, #tpu.memory_space<semaphore_mem>>
      %dma_start3A = tpu.memref_slice %arg14[%add3A_39] : memref<10240xf32, #tpu.memory_space<vmem_shared>> -> memref<80xf32, #tpu.memory_space<vmem_shared>>
      %dma_start3A_133 = tpu.memref_slice %arg14[%add3A_39] : memref<10240xf32, #tpu.memory_space<vmem_shared>> -> memref<80xf32, #tpu.memory_space<vmem_shared>>
      tpu.enqueue_dma source(%arg11 : memref<80xf32, #tpu.memory_space<vmem>>) target(%dma_start3A_133 : memref<80xf32, #tpu.memory_space<vmem_shared>>) target_semaphore(%run_scoped3A : memref<!tpu.dma_semaphore, #tpu.memory_space<semaphore_mem>>)
      %dma_wait3A = tpu.memref_slice %arg14[%add3A_39] : memref<10240xf32, #tpu.memory_space<vmem_shared>> -> memref<80xf32, #tpu.memory_space<vmem_shared>>
      %dma_wait3A_134 = tpu.memref_slice %arg14[%add3A_39] : memref<10240xf32, #tpu.memory_space<vmem_shared>> -> memref<80xf32, #tpu.memory_space<vmem_shared>>
      tpu.wait_dma2 semaphore(%run_scoped3A : memref<!tpu.dma_semaphore, #tpu.memory_space<semaphore_mem>>) src(%arg11 : memref<80xf32, #tpu.memory_space<vmem>>) dst(%dma_wait3A_134 : memref<80xf32, #tpu.memory_space<vmem_shared>>)
      tpu.yield
    }) : () -> ()
    %mul3A_40 = arith.constant 640 : i32
    %mul3A_41 = arith.muli %arg1, %mul3A_40 : i32
    %add3A_42 = arith.constant 160 : i32
    %add3A_43 = arith.addi %mul3A_41, %add3A_42 : i32
    "tpu.region"() ({
      %run_scoped3A = tpu.sem_alloc : memref<!tpu.dma_semaphore, #tpu.memory_space<semaphore_mem>>
      %dma_start3A = tpu.memref_slice %arg14[%add3A_43] : memref<10240xf32, #tpu.memory_space<vmem_shared>> -> memref<80xf32, #tpu.memory_space<vmem_shared>>
      %dma_start3A_133 = tpu.memref_slice %arg14[%add3A_43] : memref<10240xf32, #tpu.memory_space<vmem_shared>> -> memref<80xf32, #tpu.memory_space<vmem_shared>>
      tpu.enqueue_dma source(%arg11 : memref<80xf32, #tpu.memory_space<vmem>>) target(%dma_start3A_133 : memref<80xf32, #tpu.memory_space<vmem_shared>>) target_semaphore(%run_scoped3A : memref<!tpu.dma_semaphore, #tpu.memory_space<semaphore_mem>>)
      %dma_wait3A = tpu.memref_slice %arg14[%add3A_43] : memref<10240xf32, #tpu.memory_space<vmem_shared>> -> memref<80xf32, #tpu.memory_space<vmem_shared>>
      %dma_wait3A_134 = tpu.memref_slice %arg14[%add3A_43] : memref<10240xf32, #tpu.memory_space<vmem_shared>> -> memref<80xf32, #tpu.memory_space<vmem_shared>>
      tpu.wait_dma2 semaphore(%run_scoped3A : memref<!tpu.dma_semaphore, #tpu.memory_space<semaphore_mem>>) src(%arg11 : memref<80xf32, #tpu.memory_space<vmem>>) dst(%dma_wait3A_134 : memref<80xf32, #tpu.memory_space<vmem_shared>>)
      tpu.yield
    }) : () -> ()
    %mul3A_44 = arith.constant 640 : i32
    %mul3A_45 = arith.muli %arg1, %mul3A_44 : i32
    %add3A_46 = arith.constant 240 : i32
    %add3A_47 = arith.addi %mul3A_45, %add3A_46 : i32
    "tpu.region"() ({
      %run_scoped3A = tpu.sem_alloc : memref<!tpu.dma_semaphore, #tpu.memory_space<semaphore_mem>>
      %dma_start3A = tpu.memref_slice %arg14[%add3A_47] : memref<10240xf32, #tpu.memory_space<vmem_shared>> -> memref<80xf32, #tpu.memory_space<vmem_shared>>
      %dma_start3A_133 = tpu.memref_slice %arg14[%add3A_47] : memref<10240xf32, #tpu.memory_space<vmem_shared>> -> memref<80xf32, #tpu.memory_space<vmem_shared>>
      tpu.enqueue_dma source(%arg11 : memref<80xf32, #tpu.memory_space<vmem>>) target(%dma_start3A_133 : memref<80xf32, #tpu.memory_space<vmem_shared>>) target_semaphore(%run_scoped3A : memref<!tpu.dma_semaphore, #tpu.memory_space<semaphore_mem>>)
      %dma_wait3A = tpu.memref_slice %arg14[%add3A_47] : memref<10240xf32, #tpu.memory_space<vmem_shared>> -> memref<80xf32, #tpu.memory_space<vmem_shared>>
      %dma_wait3A_134 = tpu.memref_slice %arg14[%add3A_47] : memref<10240xf32, #tpu.memory_space<vmem_shared>> -> memref<80xf32, #tpu.memory_space<vmem_shared>>
      tpu.wait_dma2 semaphore(%run_scoped3A : memref<!tpu.dma_semaphore, #tpu.memory_space<semaphore_mem>>) src(%arg11 : memref<80xf32, #tpu.memory_space<vmem>>) dst(%dma_wait3A_134 : memref<80xf32, #tpu.memory_space<vmem_shared>>)
      tpu.yield
    }) : () -> ()
    %mul3A_48 = arith.constant 640 : i32
    %mul3A_49 = arith.muli %arg1, %mul3A_48 : i32
    %add3A_50 = arith.constant 320 : i32
    %add3A_51 = arith.addi %mul3A_49, %add3A_50 : i32
    "tpu.region"() ({
      %run_scoped3A = tpu.sem_alloc : memref<!tpu.dma_semaphore, #tpu.memory_space<semaphore_mem>>
      %dma_start3A = tpu.memref_slice %arg14[%add3A_51] : memref<10240xf32, #tpu.memory_space<vmem_shared>> -> memref<80xf32, #tpu.memory_space<vmem_shared>>
      %dma_start3A_133 = tpu.memref_slice %arg14[%add3A_51] : memref<10240xf32, #tpu.memory_space<vmem_shared>> -> memref<80xf32, #tpu.memory_space<vmem_shared>>
      tpu.enqueue_dma source(%arg11 : memref<80xf32, #tpu.memory_space<vmem>>) target(%dma_start3A_133 : memref<80xf32, #tpu.memory_space<vmem_shared>>) target_semaphore(%run_scoped3A : memref<!tpu.dma_semaphore, #tpu.memory_space<semaphore_mem>>)
      %dma_wait3A = tpu.memref_slice %arg14[%add3A_51] : memref<10240xf32, #tpu.memory_space<vmem_shared>> -> memref<80xf32, #tpu.memory_space<vmem_shared>>
      %dma_wait3A_134 = tpu.memref_slice %arg14[%add3A_51] : memref<10240xf32, #tpu.memory_space<vmem_shared>> -> memref<80xf32, #tpu.memory_space<vmem_shared>>
      tpu.wait_dma2 semaphore(%run_scoped3A : memref<!tpu.dma_semaphore, #tpu.memory_space<semaphore_mem>>) src(%arg11 : memref<80xf32, #tpu.memory_space<vmem>>) dst(%dma_wait3A_134 : memref<80xf32, #tpu.memory_space<vmem_shared>>)
      tpu.yield
    }) : () -> ()
    %mul3A_52 = arith.constant 640 : i32
    %mul3A_53 = arith.muli %arg1, %mul3A_52 : i32
    %add3A_54 = arith.constant 400 : i32
    %add3A_55 = arith.addi %mul3A_53, %add3A_54 : i32
    "tpu.region"() ({
      %run_scoped3A = tpu.sem_alloc : memref<!tpu.dma_semaphore, #tpu.memory_space<semaphore_mem>>
      %dma_start3A = tpu.memref_slice %arg14[%add3A_55] : memref<10240xf32, #tpu.memory_space<vmem_shared>> -> memref<80xf32, #tpu.memory_space<vmem_shared>>
      %dma_start3A_133 = tpu.memref_slice %arg14[%add3A_55] : memref<10240xf32, #tpu.memory_space<vmem_shared>> -> memref<80xf32, #tpu.memory_space<vmem_shared>>
      tpu.enqueue_dma source(%arg11 : memref<80xf32, #tpu.memory_space<vmem>>) target(%dma_start3A_133 : memref<80xf32, #tpu.memory_space<vmem_shared>>) target_semaphore(%run_scoped3A : memref<!tpu.dma_semaphore, #tpu.memory_space<semaphore_mem>>)
      %dma_wait3A = tpu.memref_slice %arg14[%add3A_55] : memref<10240xf32, #tpu.memory_space<vmem_shared>> -> memref<80xf32, #tpu.memory_space<vmem_shared>>
      %dma_wait3A_134 = tpu.memref_slice %arg14[%add3A_55] : memref<10240xf32, #tpu.memory_space<vmem_shared>> -> memref<80xf32, #tpu.memory_space<vmem_shared>>
      tpu.wait_dma2 semaphore(%run_scoped3A : memref<!tpu.dma_semaphore, #tpu.memory_space<semaphore_mem>>) src(%arg11 : memref<80xf32, #tpu.memory_space<vmem>>) dst(%dma_wait3A_134 : memref<80xf32, #tpu.memory_space<vmem_shared>>)
      tpu.yield
    }) : () -> ()
    %mul3A_56 = arith.constant 640 : i32
    %mul3A_57 = arith.muli %arg1, %mul3A_56 : i32
    %add3A_58 = arith.constant 480 : i32
    %add3A_59 = arith.addi %mul3A_57, %add3A_58 : i32
    "tpu.region"() ({
      %run_scoped3A = tpu.sem_alloc : memref<!tpu.dma_semaphore, #tpu.memory_space<semaphore_mem>>
      %dma_start3A = tpu.memref_slice %arg14[%add3A_59] : memref<10240xf32, #tpu.memory_space<vmem_shared>> -> memref<80xf32, #tpu.memory_space<vmem_shared>>
      %dma_start3A_133 = tpu.memref_slice %arg14[%add3A_59] : memref<10240xf32, #tpu.memory_space<vmem_shared>> -> memref<80xf32, #tpu.memory_space<vmem_shared>>
      tpu.enqueue_dma source(%arg11 : memref<80xf32, #tpu.memory_space<vmem>>) target(%dma_start3A_133 : memref<80xf32, #tpu.memory_space<vmem_shared>>) target_semaphore(%run_scoped3A : memref<!tpu.dma_semaphore, #tpu.memory_space<semaphore_mem>>)
      %dma_wait3A = tpu.memref_slice %arg14[%add3A_59] : memref<10240xf32, #tpu.memory_space<vmem_shared>> -> memref<80xf32, #tpu.memory_space<vmem_shared>>
      %dma_wait3A_134 = tpu.memref_slice %arg14[%add3A_59] : memref<10240xf32, #tpu.memory_space<vmem_shared>> -> memref<80xf32, #tpu.memory_space<vmem_shared>>
      tpu.wait_dma2 semaphore(%run_scoped3A : memref<!tpu.dma_semaphore, #tpu.memory_space<semaphore_mem>>) src(%arg11 : memref<80xf32, #tpu.memory_space<vmem>>) dst(%dma_wait3A_134 : memref<80xf32, #tpu.memory_space<vmem_shared>>)
      tpu.yield
    }) : () -> ()
    %mul3A_60 = arith.constant 640 : i32
    %mul3A_61 = arith.muli %arg1, %mul3A_60 : i32
    %add3A_62 = arith.constant 560 : i32
    %add3A_63 = arith.addi %mul3A_61, %add3A_62 : i32
    "tpu.region"() ({
      %run_scoped3A = tpu.sem_alloc : memref<!tpu.dma_semaphore, #tpu.memory_space<semaphore_mem>>
      %dma_start3A = tpu.memref_slice %arg14[%add3A_63] : memref<10240xf32, #tpu.memory_space<vmem_shared>> -> memref<80xf32, #tpu.memory_space<vmem_shared>>
      %dma_start3A_133 = tpu.memref_slice %arg14[%add3A_63] : memref<10240xf32, #tpu.memory_space<vmem_shared>> -> memref<80xf32, #tpu.memory_space<vmem_shared>>
      tpu.enqueue_dma source(%arg11 : memref<80xf32, #tpu.memory_space<vmem>>) target(%dma_start3A_133 : memref<80xf32, #tpu.memory_space<vmem_shared>>) target_semaphore(%run_scoped3A : memref<!tpu.dma_semaphore, #tpu.memory_space<semaphore_mem>>)
      %dma_wait3A = tpu.memref_slice %arg14[%add3A_63] : memref<10240xf32, #tpu.memory_space<vmem_shared>> -> memref<80xf32, #tpu.memory_space<vmem_shared>>
      %dma_wait3A_134 = tpu.memref_slice %arg14[%add3A_63] : memref<10240xf32, #tpu.memory_space<vmem_shared>> -> memref<80xf32, #tpu.memory_space<vmem_shared>>
      tpu.wait_dma2 semaphore(%run_scoped3A : memref<!tpu.dma_semaphore, #tpu.memory_space<semaphore_mem>>) src(%arg11 : memref<80xf32, #tpu.memory_space<vmem>>) dst(%dma_wait3A_134 : memref<80xf32, #tpu.memory_space<vmem_shared>>)
      tpu.yield
    }) : () -> ()
    %barrier3A = arith.constant 0 : index
    tpu.barrier barrier_id(%barrier3A)
    %scan3A_64 = arith.constant 0 : i32
    %scan3A_65 = arith.constant 0 : i32
    %scan3A_66 = arith.constant 125 : i32
    %scan3A_67 = arith.addi %scan3A_65, %scan3A_66 : i32
    %scan3A_68 = arith.constant 1 : i32
    scf.for %scan3A_133 = %scan3A_65 to %scan3A_67 step %scan3A_68  : i32 {
      %mul3A_134 = arith.constant 10000 : i32
      %mul3A_135 = arith.muli %add3A, %mul3A_134 : i32
      %mul3A_136 = arith.constant 80 : i32
      %mul3A_137 = arith.muli %scan3A_133, %mul3A_136 : i32
      %add3A_138 = arith.addi %mul3A_135, %mul3A_137 : i32
      %multiple_of3A = tpu.assume_multiple %add3A_138, 8 : i32
      "tpu.region"() ({
        %run_scoped3A = tpu.sem_alloc : memref<!tpu.dma_semaphore, #tpu.memory_space<semaphore_mem>>
        %dma_start3A_147 = tpu.memref_slice %arg4[%multiple_of3A] : memref<320000xi32, #tpu.memory_space<hbm>> -> memref<80xi32, #tpu.memory_space<hbm>>
        %dma_start3A_148 = tpu.memref_slice %arg4[%multiple_of3A] : memref<320000xi32, #tpu.memory_space<hbm>> -> memref<80xi32, #tpu.memory_space<hbm>>
        tpu.enqueue_dma source(%dma_start3A_148 : memref<80xi32, #tpu.memory_space<hbm>>) target(%arg8 : memref<80xi32, #tpu.memory_space<vmem>>) target_semaphore(%run_scoped3A : memref<!tpu.dma_semaphore, #tpu.memory_space<semaphore_mem>>)
        %dma_wait3A_149 = tpu.memref_slice %arg4[%multiple_of3A] : memref<320000xi32, #tpu.memory_space<hbm>> -> memref<80xi32, #tpu.memory_space<hbm>>
        %dma_wait3A_150 = tpu.memref_slice %arg4[%multiple_of3A] : memref<320000xi32, #tpu.memory_space<hbm>> -> memref<80xi32, #tpu.memory_space<hbm>>
        tpu.wait_dma2 semaphore(%run_scoped3A : memref<!tpu.dma_semaphore, #tpu.memory_space<semaphore_mem>>) src(%dma_wait3A_150 : memref<80xi32, #tpu.memory_space<hbm>>) dst(%arg8 : memref<80xi32, #tpu.memory_space<vmem>>)
        tpu.yield
      }) : () -> ()
      "tpu.region"() ({
        %run_scoped3A = tpu.sem_alloc : memref<!tpu.dma_semaphore, #tpu.memory_space<semaphore_mem>>
        %dma_start3A_147 = tpu.memref_slice %arg5[%multiple_of3A] : memref<320000xi32, #tpu.memory_space<hbm>> -> memref<80xi32, #tpu.memory_space<hbm>>
        %dma_start3A_148 = tpu.memref_slice %arg5[%multiple_of3A] : memref<320000xi32, #tpu.memory_space<hbm>> -> memref<80xi32, #tpu.memory_space<hbm>>
        tpu.enqueue_dma source(%dma_start3A_148 : memref<80xi32, #tpu.memory_space<hbm>>) target(%arg9 : memref<80xi32, #tpu.memory_space<vmem>>) target_semaphore(%run_scoped3A : memref<!tpu.dma_semaphore, #tpu.memory_space<semaphore_mem>>)
        %dma_wait3A_149 = tpu.memref_slice %arg5[%multiple_of3A] : memref<320000xi32, #tpu.memory_space<hbm>> -> memref<80xi32, #tpu.memory_space<hbm>>
        %dma_wait3A_150 = tpu.memref_slice %arg5[%multiple_of3A] : memref<320000xi32, #tpu.memory_space<hbm>> -> memref<80xi32, #tpu.memory_space<hbm>>
        tpu.wait_dma2 semaphore(%run_scoped3A : memref<!tpu.dma_semaphore, #tpu.memory_space<semaphore_mem>>) src(%dma_wait3A_150 : memref<80xi32, #tpu.memory_space<hbm>>) dst(%arg9 : memref<80xi32, #tpu.memory_space<vmem>>)
        tpu.yield
      }) : () -> ()
      %dma_start3A = arith.constant 0 : i32
      %dma_start3A_139 = arith.constant 0 : i32
      %dma_start3A_140 = tpu.memref_slice %arg2[%dma_start3A, %dma_start3A_139] : memref<10000x128xf32, #tpu.memory_space<hbm>> -> memref<10000x128xf32, #tpu.memory_space<hbm>>
      tpu.enqueue_indirect_dma source(%dma_start3A_140 : memref<10000x128xf32, #tpu.memory_space<hbm>>) target(%arg10 : memref<80x128xf32, #tpu.memory_space<vmem>>) offsets(%arg8 : memref<80xi32, #tpu.memory_space<vmem>>) semaphore(%arg15 : memref<!tpu.dma_semaphore, #tpu.memory_space<semaphore_mem>>)
      %dma_start3A_141 = arith.constant 0 : i32
      %dma_start3A_142 = tpu.memref_slice %arg3[%dma_start3A_141] : memref<10000xf32, #tpu.memory_space<hbm>> -> memref<10000xf32, #tpu.memory_space<hbm>>
      tpu.enqueue_indirect_dma source(%dma_start3A_142 : memref<10000xf32, #tpu.memory_space<hbm>>) target(%arg11 : memref<80xf32, #tpu.memory_space<vmem>>) offsets(%arg8 : memref<80xi32, #tpu.memory_space<vmem>>) semaphore(%arg16 : memref<!tpu.dma_semaphore, #tpu.memory_space<semaphore_mem>>)
      %dma_wait3A = arith.constant 0 : i32
      %dma_wait3A_143 = arith.constant 0 : i32
      %dma_wait3A_144 = tpu.memref_slice %arg2[%dma_wait3A, %dma_wait3A_143] : memref<10000x128xf32, #tpu.memory_space<hbm>> -> memref<10000x128xf32, #tpu.memory_space<hbm>>
      tpu.wait_indirect_dma semaphore(%arg15 : memref<!tpu.dma_semaphore, #tpu.memory_space<semaphore_mem>>) src(%dma_wait3A_144 : memref<10000x128xf32, #tpu.memory_space<hbm>>) dst(%arg10 : memref<80x128xf32, #tpu.memory_space<vmem>>)
      %dma_wait3A_145 = arith.constant 0 : i32
      %dma_wait3A_146 = tpu.memref_slice %arg3[%dma_wait3A_145] : memref<10000xf32, #tpu.memory_space<hbm>> -> memref<10000xf32, #tpu.memory_space<hbm>>
      tpu.wait_indirect_dma semaphore(%arg16 : memref<!tpu.dma_semaphore, #tpu.memory_space<semaphore_mem>>) src(%dma_wait3A_146 : memref<10000xf32, #tpu.memory_space<hbm>>) dst(%arg11 : memref<80xf32, #tpu.memory_space<vmem>>)
      "tpu.region"() ({
        %run_scoped3A = tpu.sem_alloc : memref<!tpu.dma_semaphore, #tpu.memory_space<semaphore_mem>>
        %dma_start3A_147 = arith.constant 0 : i32
        %dma_start3A_148 = arith.constant 0 : i32
        %dma_start3A_149 = tpu.memref_slice %arg13[%dma_start3A_147, %dma_start3A_148] : memref<10240x128xf32, #tpu.memory_space<vmem_shared>> -> memref<10240x128xf32, #tpu.memory_space<vmem_shared>>
        tpu.enqueue_indirect_dma source(%arg10 : memref<80x128xf32, #tpu.memory_space<vmem>>) target(%dma_start3A_149 : memref<10240x128xf32, #tpu.memory_space<vmem_shared>>) offsets(%arg9 : memref<80xi32, #tpu.memory_space<vmem>>) semaphore(%run_scoped3A : memref<!tpu.dma_semaphore, #tpu.memory_space<semaphore_mem>>) {add = true}
        %dma_wait3A_150 = arith.constant 0 : i32
        %dma_wait3A_151 = arith.constant 0 : i32
        %dma_wait3A_152 = tpu.memref_slice %arg13[%dma_wait3A_150, %dma_wait3A_151] : memref<10240x128xf32, #tpu.memory_space<vmem_shared>> -> memref<10240x128xf32, #tpu.memory_space<vmem_shared>>
        tpu.wait_indirect_dma semaphore(%run_scoped3A : memref<!tpu.dma_semaphore, #tpu.memory_space<semaphore_mem>>) src(%arg10 : memref<80x128xf32, #tpu.memory_space<vmem>>) dst(%dma_wait3A_152 : memref<10240x128xf32, #tpu.memory_space<vmem_shared>>)
        tpu.yield
      }) : () -> ()
      "tpu.region"() ({
        %run_scoped3A = tpu.sem_alloc : memref<!tpu.dma_semaphore, #tpu.memory_space<semaphore_mem>>
        %dma_start3A_147 = arith.constant 0 : i32
        %dma_start3A_148 = tpu.memref_slice %arg14[%dma_start3A_147] : memref<10240xf32, #tpu.memory_space<vmem_shared>> -> memref<10240xf32, #tpu.memory_space<vmem_shared>>
        tpu.enqueue_indirect_dma source(%arg11 : memref<80xf32, #tpu.memory_space<vmem>>) target(%dma_start3A_148 : memref<10240xf32, #tpu.memory_space<vmem_shared>>) offsets(%arg9 : memref<80xi32, #tpu.memory_space<vmem>>) semaphore(%run_scoped3A : memref<!tpu.dma_semaphore, #tpu.memory_space<semaphore_mem>>) {add = true}
        %dma_wait3A_149 = arith.constant 0 : i32
        %dma_wait3A_150 = tpu.memref_slice %arg14[%dma_wait3A_149] : memref<10240xf32, #tpu.memory_space<vmem_shared>> -> memref<10240xf32, #tpu.memory_space<vmem_shared>>
        tpu.wait_indirect_dma semaphore(%run_scoped3A : memref<!tpu.dma_semaphore, #tpu.memory_space<semaphore_mem>>) src(%arg11 : memref<80xf32, #tpu.memory_space<vmem>>) dst(%dma_wait3A_150 : memref<10240xf32, #tpu.memory_space<vmem_shared>>)
        tpu.yield
      }) : () -> ()
    }
    %scan3A_69 = arith.constant 125 : i32
    %barrier3A_70 = arith.constant 0 : index
    tpu.barrier barrier_id(%barrier3A_70)
    %mul3A_71 = arith.constant 640 : i32
    %mul3A_72 = arith.muli %arg1, %mul3A_71 : i32
    %add3A_73 = arith.constant 0 : i32
    %add3A_74 = arith.addi %mul3A_72, %add3A_73 : i32
    %mul3A_75 = arith.constant 10240 : i32
    %mul3A_76 = arith.muli %arg0, %mul3A_75 : i32
    %mul3A_77 = arith.constant 640 : i32
    %mul3A_78 = arith.muli %arg1, %mul3A_77 : i32
    %add3A_79 = arith.addi %mul3A_76, %mul3A_78 : i32
    %add3A_80 = arith.constant 0 : i32
    %add3A_81 = arith.addi %add3A_79, %add3A_80 : i32
    "tpu.region"() ({
      %run_scoped3A = tpu.sem_alloc : memref<!tpu.dma_semaphore, #tpu.memory_space<semaphore_mem>>
      %dma_start3A = arith.constant 0 : i32
      %dma_start3A_133 = tpu.memref_slice %arg6[%add3A_81, %dma_start3A] : memref<20480x128xf32, #tpu.memory_space<hbm>> -> memref<128x128xf32, #tpu.memory_space<hbm>>
      %dma_start3A_134 = arith.constant 0 : i32
      %dma_start3A_135 = tpu.memref_slice %arg13[%add3A_74, %dma_start3A_134] : memref<10240x128xf32, #tpu.memory_space<vmem_shared>> -> memref<128x128xf32, #tpu.memory_space<vmem_shared>>
      tpu.enqueue_dma source(%dma_start3A_135 : memref<128x128xf32, #tpu.memory_space<vmem_shared>>) target(%dma_start3A_133 : memref<128x128xf32, #tpu.memory_space<hbm>>) target_semaphore(%run_scoped3A : memref<!tpu.dma_semaphore, #tpu.memory_space<semaphore_mem>>)
      %dma_wait3A = arith.constant 0 : i32
      %dma_wait3A_136 = tpu.memref_slice %arg6[%add3A_81, %dma_wait3A] : memref<20480x128xf32, #tpu.memory_space<hbm>> -> memref<128x128xf32, #tpu.memory_space<hbm>>
      %dma_wait3A_137 = arith.constant 0 : i32
      %dma_wait3A_138 = tpu.memref_slice %arg13[%add3A_74, %dma_wait3A_137] : memref<10240x128xf32, #tpu.memory_space<vmem_shared>> -> memref<128x128xf32, #tpu.memory_space<vmem_shared>>
      tpu.wait_dma2 semaphore(%run_scoped3A : memref<!tpu.dma_semaphore, #tpu.memory_space<semaphore_mem>>) src(%dma_wait3A_138 : memref<128x128xf32, #tpu.memory_space<vmem_shared>>) dst(%dma_wait3A_136 : memref<128x128xf32, #tpu.memory_space<hbm>>)
      tpu.yield
    }) : () -> ()
    %mul3A_82 = arith.constant 640 : i32
    %mul3A_83 = arith.muli %arg1, %mul3A_82 : i32
    %add3A_84 = arith.constant 128 : i32
    %add3A_85 = arith.addi %mul3A_83, %add3A_84 : i32
    %mul3A_86 = arith.constant 10240 : i32
    %mul3A_87 = arith.muli %arg0, %mul3A_86 : i32
    %mul3A_88 = arith.constant 640 : i32
    %mul3A_89 = arith.muli %arg1, %mul3A_88 : i32
    %add3A_90 = arith.addi %mul3A_87, %mul3A_89 : i32
    %add3A_91 = arith.constant 128 : i32
    %add3A_92 = arith.addi %add3A_90, %add3A_91 : i32
    "tpu.region"() ({
      %run_scoped3A = tpu.sem_alloc : memref<!tpu.dma_semaphore, #tpu.memory_space<semaphore_mem>>
      %dma_start3A = arith.constant 0 : i32
      %dma_start3A_133 = tpu.memref_slice %arg6[%add3A_92, %dma_start3A] : memref<20480x128xf32, #tpu.memory_space<hbm>> -> memref<128x128xf32, #tpu.memory_space<hbm>>
      %dma_start3A_134 = arith.constant 0 : i32
      %dma_start3A_135 = tpu.memref_slice %arg13[%add3A_85, %dma_start3A_134] : memref<10240x128xf32, #tpu.memory_space<vmem_shared>> -> memref<128x128xf32, #tpu.memory_space<vmem_shared>>
      tpu.enqueue_dma source(%dma_start3A_135 : memref<128x128xf32, #tpu.memory_space<vmem_shared>>) target(%dma_start3A_133 : memref<128x128xf32, #tpu.memory_space<hbm>>) target_semaphore(%run_scoped3A : memref<!tpu.dma_semaphore, #tpu.memory_space<semaphore_mem>>)
      %dma_wait3A = arith.constant 0 : i32
      %dma_wait3A_136 = tpu.memref_slice %arg6[%add3A_92, %dma_wait3A] : memref<20480x128xf32, #tpu.memory_space<hbm>> -> memref<128x128xf32, #tpu.memory_space<hbm>>
      %dma_wait3A_137 = arith.constant 0 : i32
      %dma_wait3A_138 = tpu.memref_slice %arg13[%add3A_85, %dma_wait3A_137] : memref<10240x128xf32, #tpu.memory_space<vmem_shared>> -> memref<128x128xf32, #tpu.memory_space<vmem_shared>>
      tpu.wait_dma2 semaphore(%run_scoped3A : memref<!tpu.dma_semaphore, #tpu.memory_space<semaphore_mem>>) src(%dma_wait3A_138 : memref<128x128xf32, #tpu.memory_space<vmem_shared>>) dst(%dma_wait3A_136 : memref<128x128xf32, #tpu.memory_space<hbm>>)
      tpu.yield
    }) : () -> ()
    %mul3A_93 = arith.constant 640 : i32
    %mul3A_94 = arith.muli %arg1, %mul3A_93 : i32
    %add3A_95 = arith.constant 256 : i32
    %add3A_96 = arith.addi %mul3A_94, %add3A_95 : i32
    %mul3A_97 = arith.constant 10240 : i32
    %mul3A_98 = arith.muli %arg0, %mul3A_97 : i32
    %mul3A_99 = arith.constant 640 : i32
    %mul3A_100 = arith.muli %arg1, %mul3A_99 : i32
    %add3A_101 = arith.addi %mul3A_98, %mul3A_100 : i32
    %add3A_102 = arith.constant 256 : i32
    %add3A_103 = arith.addi %add3A_101, %add3A_102 : i32
    "tpu.region"() ({
      %run_scoped3A = tpu.sem_alloc : memref<!tpu.dma_semaphore, #tpu.memory_space<semaphore_mem>>
      %dma_start3A = arith.constant 0 : i32
      %dma_start3A_133 = tpu.memref_slice %arg6[%add3A_103, %dma_start3A] : memref<20480x128xf32, #tpu.memory_space<hbm>> -> memref<128x128xf32, #tpu.memory_space<hbm>>
      %dma_start3A_134 = arith.constant 0 : i32
      %dma_start3A_135 = tpu.memref_slice %arg13[%add3A_96, %dma_start3A_134] : memref<10240x128xf32, #tpu.memory_space<vmem_shared>> -> memref<128x128xf32, #tpu.memory_space<vmem_shared>>
      tpu.enqueue_dma source(%dma_start3A_135 : memref<128x128xf32, #tpu.memory_space<vmem_shared>>) target(%dma_start3A_133 : memref<128x128xf32, #tpu.memory_space<hbm>>) target_semaphore(%run_scoped3A : memref<!tpu.dma_semaphore, #tpu.memory_space<semaphore_mem>>)
      %dma_wait3A = arith.constant 0 : i32
      %dma_wait3A_136 = tpu.memref_slice %arg6[%add3A_103, %dma_wait3A] : memref<20480x128xf32, #tpu.memory_space<hbm>> -> memref<128x128xf32, #tpu.memory_space<hbm>>
      %dma_wait3A_137 = arith.constant 0 : i32
      %dma_wait3A_138 = tpu.memref_slice %arg13[%add3A_96, %dma_wait3A_137] : memref<10240x128xf32, #tpu.memory_space<vmem_shared>> -> memref<128x128xf32, #tpu.memory_space<vmem_shared>>
      tpu.wait_dma2 semaphore(%run_scoped3A : memref<!tpu.dma_semaphore, #tpu.memory_space<semaphore_mem>>) src(%dma_wait3A_138 : memref<128x128xf32, #tpu.memory_space<vmem_shared>>) dst(%dma_wait3A_136 : memref<128x128xf32, #tpu.memory_space<hbm>>)
      tpu.yield
    }) : () -> ()
    %mul3A_104 = arith.constant 640 : i32
    %mul3A_105 = arith.muli %arg1, %mul3A_104 : i32
    %add3A_106 = arith.constant 384 : i32
    %add3A_107 = arith.addi %mul3A_105, %add3A_106 : i32
    %mul3A_108 = arith.constant 10240 : i32
    %mul3A_109 = arith.muli %arg0, %mul3A_108 : i32
    %mul3A_110 = arith.constant 640 : i32
    %mul3A_111 = arith.muli %arg1, %mul3A_110 : i32
    %add3A_112 = arith.addi %mul3A_109, %mul3A_111 : i32
    %add3A_113 = arith.constant 384 : i32
    %add3A_114 = arith.addi %add3A_112, %add3A_113 : i32
    "tpu.region"() ({
      %run_scoped3A = tpu.sem_alloc : memref<!tpu.dma_semaphore, #tpu.memory_space<semaphore_mem>>
      %dma_start3A = arith.constant 0 : i32
      %dma_start3A_133 = tpu.memref_slice %arg6[%add3A_114, %dma_start3A] : memref<20480x128xf32, #tpu.memory_space<hbm>> -> memref<128x128xf32, #tpu.memory_space<hbm>>
      %dma_start3A_134 = arith.constant 0 : i32
      %dma_start3A_135 = tpu.memref_slice %arg13[%add3A_107, %dma_start3A_134] : memref<10240x128xf32, #tpu.memory_space<vmem_shared>> -> memref<128x128xf32, #tpu.memory_space<vmem_shared>>
      tpu.enqueue_dma source(%dma_start3A_135 : memref<128x128xf32, #tpu.memory_space<vmem_shared>>) target(%dma_start3A_133 : memref<128x128xf32, #tpu.memory_space<hbm>>) target_semaphore(%run_scoped3A : memref<!tpu.dma_semaphore, #tpu.memory_space<semaphore_mem>>)
      %dma_wait3A = arith.constant 0 : i32
      %dma_wait3A_136 = tpu.memref_slice %arg6[%add3A_114, %dma_wait3A] : memref<20480x128xf32, #tpu.memory_space<hbm>> -> memref<128x128xf32, #tpu.memory_space<hbm>>
      %dma_wait3A_137 = arith.constant 0 : i32
      %dma_wait3A_138 = tpu.memref_slice %arg13[%add3A_107, %dma_wait3A_137] : memref<10240x128xf32, #tpu.memory_space<vmem_shared>> -> memref<128x128xf32, #tpu.memory_space<vmem_shared>>
      tpu.wait_dma2 semaphore(%run_scoped3A : memref<!tpu.dma_semaphore, #tpu.memory_space<semaphore_mem>>) src(%dma_wait3A_138 : memref<128x128xf32, #tpu.memory_space<vmem_shared>>) dst(%dma_wait3A_136 : memref<128x128xf32, #tpu.memory_space<hbm>>)
      tpu.yield
    }) : () -> ()
    %mul3A_115 = arith.constant 640 : i32
    %mul3A_116 = arith.muli %arg1, %mul3A_115 : i32
    %add3A_117 = arith.constant 512 : i32
    %add3A_118 = arith.addi %mul3A_116, %add3A_117 : i32
    %mul3A_119 = arith.constant 10240 : i32
    %mul3A_120 = arith.muli %arg0, %mul3A_119 : i32
    %mul3A_121 = arith.constant 640 : i32
    %mul3A_122 = arith.muli %arg1, %mul3A_121 : i32
    %add3A_123 = arith.addi %mul3A_120, %mul3A_122 : i32
    %add3A_124 = arith.constant 512 : i32
    %add3A_125 = arith.addi %add3A_123, %add3A_124 : i32
    "tpu.region"() ({
      %run_scoped3A = tpu.sem_alloc : memref<!tpu.dma_semaphore, #tpu.memory_space<semaphore_mem>>
      %dma_start3A = arith.constant 0 : i32
      %dma_start3A_133 = tpu.memref_slice %arg6[%add3A_125, %dma_start3A] : memref<20480x128xf32, #tpu.memory_space<hbm>> -> memref<128x128xf32, #tpu.memory_space<hbm>>
      %dma_start3A_134 = arith.constant 0 : i32
      %dma_start3A_135 = tpu.memref_slice %arg13[%add3A_118, %dma_start3A_134] : memref<10240x128xf32, #tpu.memory_space<vmem_shared>> -> memref<128x128xf32, #tpu.memory_space<vmem_shared>>
      tpu.enqueue_dma source(%dma_start3A_135 : memref<128x128xf32, #tpu.memory_space<vmem_shared>>) target(%dma_start3A_133 : memref<128x128xf32, #tpu.memory_space<hbm>>) target_semaphore(%run_scoped3A : memref<!tpu.dma_semaphore, #tpu.memory_space<semaphore_mem>>)
      %dma_wait3A = arith.constant 0 : i32
      %dma_wait3A_136 = tpu.memref_slice %arg6[%add3A_125, %dma_wait3A] : memref<20480x128xf32, #tpu.memory_space<hbm>> -> memref<128x128xf32, #tpu.memory_space<hbm>>
      %dma_wait3A_137 = arith.constant 0 : i32
      %dma_wait3A_138 = tpu.memref_slice %arg13[%add3A_118, %dma_wait3A_137] : memref<10240x128xf32, #tpu.memory_space<vmem_shared>> -> memref<128x128xf32, #tpu.memory_space<vmem_shared>>
      tpu.wait_dma2 semaphore(%run_scoped3A : memref<!tpu.dma_semaphore, #tpu.memory_space<semaphore_mem>>) src(%dma_wait3A_138 : memref<128x128xf32, #tpu.memory_space<vmem_shared>>) dst(%dma_wait3A_136 : memref<128x128xf32, #tpu.memory_space<hbm>>)
      tpu.yield
    }) : () -> ()
    %mul3A_126 = arith.constant 640 : i32
    %mul3A_127 = arith.muli %arg1, %mul3A_126 : i32
    %mul3A_128 = arith.constant 10240 : i32
    %mul3A_129 = arith.muli %arg0, %mul3A_128 : i32
    %mul3A_130 = arith.constant 640 : i32
    %mul3A_131 = arith.muli %arg1, %mul3A_130 : i32
    %add3A_132 = arith.addi %mul3A_129, %mul3A_131 : i32
    "tpu.region"() ({
      %run_scoped3A = tpu.sem_alloc : memref<!tpu.dma_semaphore, #tpu.memory_space<semaphore_mem>>
      %dma_start3A = tpu.memref_slice %arg7[%add3A_132] : memref<20480xf32, #tpu.memory_space<hbm>> -> memref<640xf32, #tpu.memory_space<hbm>>
      %dma_start3A_133 = tpu.memref_slice %arg14[%mul3A_127] : memref<10240xf32, #tpu.memory_space<vmem_shared>> -> memref<640xf32, #tpu.memory_space<vmem_shared>>
      tpu.enqueue_dma source(%dma_start3A_133 : memref<640xf32, #tpu.memory_space<vmem_shared>>) target(%dma_start3A : memref<640xf32, #tpu.memory_space<hbm>>) target_semaphore(%run_scoped3A : memref<!tpu.dma_semaphore, #tpu.memory_space<semaphore_mem>>)
      %dma_wait3A = tpu.memref_slice %arg7[%add3A_132] : memref<20480xf32, #tpu.memory_space<hbm>> -> memref<640xf32, #tpu.memory_space<hbm>>
      %dma_wait3A_134 = tpu.memref_slice %arg14[%mul3A_127] : memref<10240xf32, #tpu.memory_space<vmem_shared>> -> memref<640xf32, #tpu.memory_space<vmem_shared>>
      tpu.wait_dma2 semaphore(%run_scoped3A : memref<!tpu.dma_semaphore, #tpu.memory_space<semaphore_mem>>) src(%dma_wait3A_134 : memref<640xf32, #tpu.memory_space<vmem_shared>>) dst(%dma_wait3A : memref<640xf32, #tpu.memory_space<hbm>>)
      tpu.yield
    }) : () -> ()
    return
  }
}

module attributes {stable_mosaic.version = 14 : i64} {
  func.func @_tc_prep_body(%arg0: i32, %arg1: memref<1000x1xf32, #tpu.memory_space<vmem>>, %arg2: memref<1000x1xf32, #tpu.memory_space<vmem>>, %arg3: memref<1000x128xf32, #tpu.memory_space<vmem>>, %arg4: memref<1000x128xf32, #tpu.memory_space<vmem>>, %arg5: memref<1000x1xf32, #tpu.memory_space<vmem>>) attributes {dimension_semantics = [#tpu.dimension_semantics<arbitrary>], iteration_bounds = array<i64: 10>, scalar_prefetch = 0 : i64, scratch_operands = 0 : i64, tpu.core_type = #tpu.core_type<tc>, window_params = [{transform_indices = @transform_0, window_bounds = array<i64: 1000, 1>}, {transform_indices = @transform_1, window_bounds = array<i64: 1000, 1>}, {transform_indices = @transform_2, window_bounds = array<i64: 1000, 128>}, {transform_indices = @transform_3, window_bounds = array<i64: 1000, 128>}, {transform_indices = @transform_4, window_bounds = array<i64: 1000, 1>}]} {
    %get3A = arith.constant 0 : index
    %get3A_0 = arith.constant 0 : index
    %get3A_1 = vector.load %arg1[%get3A, %get3A_0] : memref<1000x1xf32, #tpu.memory_space<vmem>>, vector<1000x1xf32>
    %get3A_2 = arith.constant 0 : index
    %get3A_3 = arith.constant 0 : index
    %get3A_4 = vector.load %arg2[%get3A_2, %get3A_3] : memref<1000x1xf32, #tpu.memory_space<vmem>>, vector<1000x1xf32>
    %add3A = arith.addf %get3A_1, %get3A_4 : vector<1000x1xf32>
    %gt3A = arith.constant 0.000000e+00 : f32
    %gt3A_5 = vector.broadcast %gt3A : f32 to vector<1000x1xf32>
    %gt3A_6 = arith.cmpf ogt, %add3A, %gt3A_5 : vector<1000x1xf32>
    %sqrt3A = math.sqrt %add3A : vector<1000x1xf32>
    %div3A = arith.constant 1.000000e+00 : f32
    %div3A_7 = vector.broadcast %div3A : f32 to vector<1000x1xf32>
    %div3A_8 = arith.divf %div3A_7, %sqrt3A : vector<1000x1xf32>
    %jit3A = arith.constant 0.000000e+00 : f32
    %broadcast_in_dim3A = vector.broadcast %jit3A : f32 to vector<1000x1xf32>
    %select_n3A = arith.select %gt3A_6, %div3A_8, %broadcast_in_dim3A : vector<1000x1xi1>, vector<1000x1xf32>
    %get3A_9 = arith.constant 0 : index
    %get3A_10 = arith.constant 0 : index
    %get3A_11 = vector.load %arg3[%get3A_9, %get3A_10] : memref<1000x128xf32, #tpu.memory_space<vmem>>, vector<1000x128xf32>
    %mul3A = vector.broadcast %select_n3A : vector<1000x1xf32> to vector<1000x128xf32>
    %mul3A_12 = arith.mulf %get3A_11, %mul3A : vector<1000x128xf32>
    %swap3A = arith.constant 0 : index
    %swap3A_13 = arith.constant 0 : index
    %swap3A_14 = vector.load %arg4[%swap3A, %swap3A_13] : memref<1000x128xf32, #tpu.memory_space<vmem>>, vector<1000x128xf32>
    tpu.vector_store %arg4[%swap3A, %swap3A_13], %mul3A_12 {strides = array<i32>} : memref<1000x128xf32, #tpu.memory_space<vmem>>, vector<1000x128xf32>,
    %swap3A_15 = arith.constant 0 : index
    %swap3A_16 = arith.constant 0 : index
    %swap3A_17 = vector.load %arg5[%swap3A_15, %swap3A_16] : memref<1000x1xf32, #tpu.memory_space<vmem>>, vector<1000x1xf32>
    tpu.vector_store %arg5[%swap3A_15, %swap3A_16], %select_n3A {strides = array<i32>} : memref<1000x1xf32, #tpu.memory_space<vmem>>, vector<1000x1xf32>,
    return
  }
  func.func @transform_0(%arg0: i32) -> (i32, i32) {
    %c0_i32 = arith.constant 0 : i32
    %c0_i32_0 = arith.constant 0 : i32
    return %arg0, %c0_i32 : i32, i32
  }
  func.func @transform_1(%arg0: i32) -> (i32, i32) {
    %c0_i32 = arith.constant 0 : i32
    %c0_i32_0 = arith.constant 0 : i32
    return %arg0, %c0_i32 : i32, i32
  }
  func.func @transform_2(%arg0: i32) -> (i32, i32) {
    %c0_i32 = arith.constant 0 : i32
    %c0_i32_0 = arith.constant 0 : i32
    return %arg0, %c0_i32 : i32, i32
  }
  func.func @transform_3(%arg0: i32) -> (i32, i32) {
    %c0_i32 = arith.constant 0 : i32
    %c0_i32_0 = arith.constant 0 : i32
    return %arg0, %c0_i32 : i32, i32
  }
  func.func @transform_4(%arg0: i32) -> (i32, i32) {
    %c0_i32 = arith.constant 0 : i32
    %c0_i32_0 = arith.constant 0 : i32
    return %arg0, %c0_i32 : i32, i32
  }
}

module attributes {stable_mosaic.version = 14 : i64} {
  func.func @_tc_dense_body(%arg0: i32, %arg1: memref<1000x128xf32, #tpu.memory_space<vmem>>, %arg2: memref<1000x128xf32, #tpu.memory_space<vmem>>, %arg3: memref<1000x1xf32, #tpu.memory_space<vmem>>, %arg4: memref<1000x1xf32, #tpu.memory_space<vmem>>, %arg5: memref<1000x1xf32, #tpu.memory_space<vmem>>, %arg6: memref<1000x1xf32, #tpu.memory_space<vmem>>, %arg7: memref<1000x1xf32, #tpu.memory_space<vmem>>, %arg8: memref<128x128xf32, #tpu.memory_space<vmem>>, %arg9: memref<128x128xf32, #tpu.memory_space<vmem>>, %arg10: memref<1x128xf32, #tpu.memory_space<vmem>>, %arg11: memref<1x128xf32, #tpu.memory_space<vmem>>, %arg12: memref<128x64xf32, #tpu.memory_space<vmem>>, %arg13: memref<128x64xf32, #tpu.memory_space<vmem>>, %arg14: memref<1x64xf32, #tpu.memory_space<vmem>>, %arg15: memref<1000x128xf32, #tpu.memory_space<vmem>>) attributes {dimension_semantics = [#tpu.dimension_semantics<arbitrary>], iteration_bounds = array<i64: 10>, scalar_prefetch = 0 : i64, scratch_operands = 0 : i64, tpu.core_type = #tpu.core_type<tc>, window_params = [{transform_indices = @transform_0, window_bounds = array<i64: 1000, 128>}, {transform_indices = @transform_1, window_bounds = array<i64: 1000, 128>}, {transform_indices = @transform_2, window_bounds = array<i64: 1000, 1>}, {transform_indices = @transform_3, window_bounds = array<i64: 1000, 1>}, {transform_indices = @transform_4, window_bounds = array<i64: 1000, 1>}, {transform_indices = @transform_5, window_bounds = array<i64: 1000, 1>}, {transform_indices = @transform_6, window_bounds = array<i64: 1000, 1>}, {pipeline_mode = #tpu.pipeline_mode<synchronous>, transform_indices = @transform_7, window_bounds = array<i64: 128, 128>}, {pipeline_mode = #tpu.pipeline_mode<synchronous>, transform_indices = @transform_8, window_bounds = array<i64: 128, 128>}, {pipeline_mode = #tpu.pipeline_mode<synchronous>, transform_indices = @transform_9, window_bounds = array<i64: 1, 128>}, {pipeline_mode = #tpu.pipeline_mode<synchronous>, transform_indices = @transform_10, window_bounds = array<i64: 1, 128>}, {pipeline_mode = #tpu.pipeline_mode<synchronous>, transform_indices = @transform_11, window_bounds = array<i64: 128, 64>}, {pipeline_mode = #tpu.pipeline_mode<synchronous>, transform_indices = @transform_12, window_bounds = array<i64: 128, 64>}, {pipeline_mode = #tpu.pipeline_mode<synchronous>, transform_indices = @transform_13, window_bounds = array<i64: 1, 64>}, {transform_indices = @transform_14, window_bounds = array<i64: 1000, 128>}]} {
    %get3A = arith.constant 0 : index
    %get3A_0 = arith.constant 0 : index
    %get3A_1 = vector.load %arg1[%get3A, %get3A_0] : memref<1000x128xf32, #tpu.memory_space<vmem>>, vector<1000x128xf32>
    %get3A_2 = arith.constant 0 : index
    %get3A_3 = arith.constant 0 : index
    %get3A_4 = vector.load %arg2[%get3A_2, %get3A_3] : memref<1000x128xf32, #tpu.memory_space<vmem>>, vector<1000x128xf32>
    %add3A = arith.addf %get3A_1, %get3A_4 : vector<1000x128xf32>
    %get3A_5 = arith.constant 0 : index
    %get3A_6 = arith.constant 0 : index
    %get3A_7 = vector.load %arg5[%get3A_5, %get3A_6] : memref<1000x1xf32, #tpu.memory_space<vmem>>, vector<1000x1xf32>
    %get3A_8 = arith.constant 0 : index
    %get3A_9 = arith.constant 0 : index
    %get3A_10 = vector.load %arg6[%get3A_8, %get3A_9] : memref<1000x1xf32, #tpu.memory_space<vmem>>, vector<1000x1xf32>
    %add3A_11 = arith.addf %get3A_7, %get3A_10 : vector<1000x1xf32>
    %gt3A = arith.constant 0.000000e+00 : f32
    %gt3A_12 = vector.broadcast %gt3A : f32 to vector<1000x1xf32>
    %gt3A_13 = arith.cmpf ogt, %add3A_11, %gt3A_12 : vector<1000x1xf32>
    %sqrt3A = math.sqrt %add3A_11 : vector<1000x1xf32>
    %div3A = arith.constant 1.000000e+00 : f32
    %div3A_14 = vector.broadcast %div3A : f32 to vector<1000x1xf32>
    %div3A_15 = arith.divf %div3A_14, %sqrt3A : vector<1000x1xf32>
    %jit3A = arith.constant 0.000000e+00 : f32
    %broadcast_in_dim3A = vector.broadcast %jit3A : f32 to vector<1000x1xf32>
    %select_n3A = arith.select %gt3A_13, %div3A_15, %broadcast_in_dim3A : vector<1000x1xi1>, vector<1000x1xf32>
    %mul3A = vector.broadcast %select_n3A : vector<1000x1xf32> to vector<1000x128xf32>
    %mul3A_16 = arith.mulf %add3A, %mul3A : vector<1000x128xf32>
    %get3A_17 = arith.constant 0 : index
    %get3A_18 = arith.constant 0 : index
    %get3A_19 = vector.load %arg3[%get3A_17, %get3A_18] : memref<1000x1xf32, #tpu.memory_space<vmem>>, vector<1000x1xf32>
    %get3A_20 = arith.constant 0 : index
    %get3A_21 = arith.constant 0 : index
    %get3A_22 = vector.load %arg4[%get3A_20, %get3A_21] : memref<1000x1xf32, #tpu.memory_space<vmem>>, vector<1000x1xf32>
    %add3A_23 = arith.addf %get3A_19, %get3A_22 : vector<1000x1xf32>
    %mul3A_24 = arith.mulf %add3A_23, %select_n3A : vector<1000x1xf32>
    %get3A_25 = arith.constant 0 : index
    %get3A_26 = arith.constant 0 : index
    %get3A_27 = vector.load %arg8[%get3A_25, %get3A_26] : memref<128x128xf32, #tpu.memory_space<vmem>>, vector<128x128xf32>
    %dot_general3A = arith.constant dense<0.000000e+00> : vector<1000x128xf32>
    %dot_general3A_28 = tpu.matmul %mul3A_16, %get3A_27, %dot_general3A {dimension_numbers = #tpu.dot_dimension_numbers<[1], [0], [0], [1], [0, 0, 1, 1], [], []>, transpose_lhs_hint = false} : vector<1000x128xf32>, vector<128x128xf32>, vector<1000x128xf32> -> vector<1000x128xf32>
    %get3A_29 = arith.constant 0 : index
    %get3A_30 = arith.constant 0 : index
    %get3A_31 = vector.load %arg10[%get3A_29, %get3A_30] : memref<1x128xf32, #tpu.memory_space<vmem>>, vector<1x128xf32>
    %mul3A_32 = vector.broadcast %mul3A_24 : vector<1000x1xf32> to vector<1000x128xf32>
    %mul3A_33 = vector.broadcast %get3A_31 : vector<1x128xf32> to vector<1000x128xf32>
    %mul3A_34 = arith.mulf %mul3A_32, %mul3A_33 : vector<1000x128xf32>
    %add3A_35 = arith.addf %dot_general3A_28, %mul3A_34 : vector<1000x128xf32>
    %max3A = arith.constant 0.000000e+00 : f32
    %max3A_36 = vector.broadcast %max3A : f32 to vector<1000x128xf32>
    %max3A_37 = arith.maximumf %add3A_35, %max3A_36 : vector<1000x128xf32>
    %get3A_38 = arith.constant 0 : index
    %get3A_39 = arith.constant 0 : index
    %get3A_40 = vector.load %arg9[%get3A_38, %get3A_39] : memref<128x128xf32, #tpu.memory_space<vmem>>, vector<128x128xf32>
    %dot_general3A_41 = arith.constant dense<0.000000e+00> : vector<1000x128xf32>
    %dot_general3A_42 = tpu.matmul %mul3A_16, %get3A_40, %dot_general3A_41 {dimension_numbers = #tpu.dot_dimension_numbers<[1], [0], [0], [1], [0, 0, 1, 1], [], []>, transpose_lhs_hint = false} : vector<1000x128xf32>, vector<128x128xf32>, vector<1000x128xf32> -> vector<1000x128xf32>
    %get3A_43 = arith.constant 0 : index
    %get3A_44 = arith.constant 0 : index
    %get3A_45 = vector.load %arg11[%get3A_43, %get3A_44] : memref<1x128xf32, #tpu.memory_space<vmem>>, vector<1x128xf32>
    %mul3A_46 = vector.broadcast %mul3A_24 : vector<1000x1xf32> to vector<1000x128xf32>
    %mul3A_47 = vector.broadcast %get3A_45 : vector<1x128xf32> to vector<1000x128xf32>
    %mul3A_48 = arith.mulf %mul3A_46, %mul3A_47 : vector<1000x128xf32>
    %add3A_49 = arith.addf %dot_general3A_42, %mul3A_48 : vector<1000x128xf32>
    %max3A_50 = arith.constant 0.000000e+00 : f32
    %max3A_51 = vector.broadcast %max3A_50 : f32 to vector<1000x128xf32>
    %max3A_52 = arith.maximumf %add3A_49, %max3A_51 : vector<1000x128xf32>
    %get3A_53 = arith.constant 0 : index
    %get3A_54 = arith.constant 0 : index
    %get3A_55 = vector.load %arg12[%get3A_53, %get3A_54] : memref<128x64xf32, #tpu.memory_space<vmem>>, vector<128x64xf32>
    %dot_general3A_56 = arith.constant dense<0.000000e+00> : vector<1000x64xf32>
    %dot_general3A_57 = tpu.matmul %max3A_37, %get3A_55, %dot_general3A_56 {dimension_numbers = #tpu.dot_dimension_numbers<[1], [0], [0], [1], [0, 0, 1, 1], [], []>, transpose_lhs_hint = false} : vector<1000x128xf32>, vector<128x64xf32>, vector<1000x64xf32> -> vector<1000x64xf32>
    %get3A_58 = arith.constant 0 : index
    %get3A_59 = arith.constant 0 : index
    %get3A_60 = vector.load %arg13[%get3A_58, %get3A_59] : memref<128x64xf32, #tpu.memory_space<vmem>>, vector<128x64xf32>
    %dot_general3A_61 = arith.constant dense<0.000000e+00> : vector<1000x64xf32>
    %dot_general3A_62 = tpu.matmul %max3A_52, %get3A_60, %dot_general3A_61 {dimension_numbers = #tpu.dot_dimension_numbers<[1], [0], [0], [1], [0, 0, 1, 1], [], []>, transpose_lhs_hint = false} : vector<1000x128xf32>, vector<128x64xf32>, vector<1000x64xf32> -> vector<1000x64xf32>
    %sub3A = arith.subf %dot_general3A_57, %dot_general3A_62 : vector<1000x64xf32>
    %get3A_63 = arith.constant 0 : index
    %get3A_64 = arith.constant 0 : index
    %get3A_65 = vector.load %arg14[%get3A_63, %get3A_64] : memref<1x64xf32, #tpu.memory_space<vmem>>, vector<1x64xf32>
    %add3A_66 = vector.broadcast %get3A_65 : vector<1x64xf32> to vector<1000x64xf32>
    %add3A_67 = arith.addf %sub3A, %add3A_66 : vector<1000x64xf32>
    %get3A_68 = arith.constant 0 : index
    %get3A_69 = arith.constant 0 : index
    %get3A_70 = vector.load %arg7[%get3A_68, %get3A_69] : memref<1000x1xf32, #tpu.memory_space<vmem>>, vector<1000x1xf32>
    %mul3A_71 = vector.broadcast %get3A_70 : vector<1000x1xf32> to vector<1000x64xf32>
    %mul3A_72 = arith.mulf %add3A_67, %mul3A_71 : vector<1000x64xf32>
    %broadcast_in_dim3A_73 = arith.constant 0.000000e+00 : f32
    %broadcast_in_dim3A_74 = vector.broadcast %broadcast_in_dim3A_73 : f32 to vector<1000x64xf32>
    %concatenate3A = tpu.concatenate %mul3A_72, %broadcast_in_dim3A_74 in 1 : vector<1000x64xf32>, vector<1000x64xf32> -> vector<1000x128xf32>
    %swap3A = arith.constant 0 : index
    %swap3A_75 = arith.constant 0 : index
    %swap3A_76 = vector.load %arg15[%swap3A, %swap3A_75] : memref<1000x128xf32, #tpu.memory_space<vmem>>, vector<1000x128xf32>
    tpu.vector_store %arg15[%swap3A, %swap3A_75], %concatenate3A {strides = array<i32>} : memref<1000x128xf32, #tpu.memory_space<vmem>>, vector<1000x128xf32>,
    return
  }
  func.func @transform_0(%arg0: i32) -> (i32, i32) {
    %c0_i32 = arith.constant 0 : i32
    %c0_i32_0 = arith.constant 0 : i32
    return %arg0, %c0_i32 : i32, i32
  }
  func.func @transform_1(%arg0: i32) -> (i32, i32) {
    %c0_i32 = arith.constant 0 : i32
    %c0_i32_0 = arith.constant 0 : i32
    return %arg0, %c0_i32 : i32, i32
  }
  func.func @transform_2(%arg0: i32) -> (i32, i32) {
    %c0_i32 = arith.constant 0 : i32
    %c0_i32_0 = arith.constant 0 : i32
    return %arg0, %c0_i32 : i32, i32
  }
  func.func @transform_3(%arg0: i32) -> (i32, i32) {
    %c0_i32 = arith.constant 0 : i32
    %c0_i32_0 = arith.constant 0 : i32
    return %arg0, %c0_i32 : i32, i32
  }
  func.func @transform_4(%arg0: i32) -> (i32, i32) {
    %c0_i32 = arith.constant 0 : i32
    %c0_i32_0 = arith.constant 0 : i32
    return %arg0, %c0_i32 : i32, i32
  }
  func.func @transform_5(%arg0: i32) -> (i32, i32) {
    %c0_i32 = arith.constant 0 : i32
    %c0_i32_0 = arith.constant 0 : i32
    return %arg0, %c0_i32 : i32, i32
  }
  func.func @transform_6(%arg0: i32) -> (i32, i32) {
    %c0_i32 = arith.constant 0 : i32
    %c0_i32_0 = arith.constant 0 : i32
    return %arg0, %c0_i32 : i32, i32
  }
  func.func @transform_7(%arg0: i32) -> (i32, i32) {
    %c0_i32 = arith.constant 0 : i32
    %c0_i32_0 = arith.constant 0 : i32
    %c0_i32_1 = arith.constant 0 : i32
    return %c0_i32, %c0_i32_0 : i32, i32
  }
  func.func @transform_8(%arg0: i32) -> (i32, i32) {
    %c0_i32 = arith.constant 0 : i32
    %c0_i32_0 = arith.constant 0 : i32
    %c0_i32_1 = arith.constant 0 : i32
    return %c0_i32, %c0_i32_0 : i32, i32
  }
  func.func @transform_9(%arg0: i32) -> (i32, i32) {
    %c0_i32 = arith.constant 0 : i32
    %c0_i32_0 = arith.constant 0 : i32
    %c0_i32_1 = arith.constant 0 : i32
    return %c0_i32, %c0_i32_0 : i32, i32
  }
  func.func @transform_10(%arg0: i32) -> (i32, i32) {
    %c0_i32 = arith.constant 0 : i32
    %c0_i32_0 = arith.constant 0 : i32
    %c0_i32_1 = arith.constant 0 : i32
    return %c0_i32, %c0_i32_0 : i32, i32
  }
  func.func @transform_11(%arg0: i32) -> (i32, i32) {
    %c0_i32 = arith.constant 0 : i32
    %c0_i32_0 = arith.constant 0 : i32
    %c0_i32_1 = arith.constant 0 : i32
    return %c0_i32, %c0_i32_0 : i32, i32
  }
  func.func @transform_12(%arg0: i32) -> (i32, i32) {
    %c0_i32 = arith.constant 0 : i32
    %c0_i32_0 = arith.constant 0 : i32
    %c0_i32_1 = arith.constant 0 : i32
    return %c0_i32, %c0_i32_0 : i32, i32
  }
  func.func @transform_13(%arg0: i32) -> (i32, i32) {
    %c0_i32 = arith.constant 0 : i32
    %c0_i32_0 = arith.constant 0 : i32
    %c0_i32_1 = arith.constant 0 : i32
    return %c0_i32, %c0_i32_0 : i32, i32
  }
  func.func @transform_14(%arg0: i32) -> (i32, i32) {
    %c0_i32 = arith.constant 0 : i32
    %c0_i32_0 = arith.constant 0 : i32
    return %arg0, %c0_i32 : i32, i32
  }
}

module attributes {stable_mosaic.version = 14 : i64} {
  func.func @_tc_loss_body(%arg0: i32, %arg1: memref<1000x128xf32, #tpu.memory_space<vmem>>, %arg2: memref<1000x128xf32, #tpu.memory_space<vmem>>, %arg3: memref<1000x1xf32, #tpu.memory_space<vmem>>, %arg4: memref<1000x1xf32, #tpu.memory_space<vmem>>, %arg5: memref<1x1xf32, #tpu.memory_space<vmem>>) attributes {dimension_semantics = [#tpu.dimension_semantics<arbitrary>], iteration_bounds = array<i64: 10>, scalar_prefetch = 0 : i64, scratch_operands = 0 : i64, tpu.core_type = #tpu.core_type<tc>, window_params = [{transform_indices = @transform_0, window_bounds = array<i64: 1000, 128>}, {transform_indices = @transform_1, window_bounds = array<i64: 1000, 128>}, {transform_indices = @transform_2, window_bounds = array<i64: 1000, 1>}, {transform_indices = @transform_3, window_bounds = array<i64: 1000, 1>}, {pipeline_mode = #tpu.pipeline_mode<synchronous>, transform_indices = @transform_4, window_bounds = array<i64: 1, 1>}]} {
    %get3A = arith.constant 0 : index
    %get3A_0 = arith.constant 0 : index
    %get3A_1 = vector.load %arg1[%get3A, %get3A_0] : memref<1000x128xf32, #tpu.memory_space<vmem>>, vector<1000x128xf32>
    %get3A_2 = arith.constant 0 : index
    %get3A_3 = arith.constant 0 : index
    %get3A_4 = vector.load %arg2[%get3A_2, %get3A_3] : memref<1000x128xf32, #tpu.memory_space<vmem>>, vector<1000x128xf32>
    %add3A = arith.addf %get3A_1, %get3A_4 : vector<1000x128xf32>
    %get3A_5 = arith.constant 0 : index
    %get3A_6 = arith.constant 0 : index
    %get3A_7 = vector.load %arg3[%get3A_5, %get3A_6] : memref<1000x1xf32, #tpu.memory_space<vmem>>, vector<1000x1xf32>
    %get3A_8 = arith.constant 0 : index
    %get3A_9 = arith.constant 0 : index
    %get3A_10 = vector.load %arg4[%get3A_8, %get3A_9] : memref<1000x1xf32, #tpu.memory_space<vmem>>, vector<1000x1xf32>
    %add3A_11 = arith.addf %get3A_7, %get3A_10 : vector<1000x1xf32>
    %gt3A = arith.constant 0.000000e+00 : f32
    %gt3A_12 = vector.broadcast %gt3A : f32 to vector<1000x1xf32>
    %gt3A_13 = arith.cmpf ogt, %add3A_11, %gt3A_12 : vector<1000x1xf32>
    %sqrt3A = math.sqrt %add3A_11 : vector<1000x1xf32>
    %div3A = arith.constant 1.000000e+00 : f32
    %div3A_14 = vector.broadcast %div3A : f32 to vector<1000x1xf32>
    %div3A_15 = arith.divf %div3A_14, %sqrt3A : vector<1000x1xf32>
    %jit3A = arith.constant 0.000000e+00 : f32
    %broadcast_in_dim3A = vector.broadcast %jit3A : f32 to vector<1000x1xf32>
    %select_n3A = arith.select %gt3A_13, %div3A_15, %broadcast_in_dim3A : vector<1000x1xi1>, vector<1000x1xf32>
    %mul3A = vector.broadcast %select_n3A : vector<1000x1xf32> to vector<1000x128xf32>
    %mul3A_16 = arith.mulf %add3A, %mul3A : vector<1000x128xf32>
    %mul3A_17 = arith.mulf %mul3A_16, %mul3A_16 : vector<1000x128xf32>
    %reduce_sum3A = vector.shape_cast %mul3A_17 : vector<1000x128xf32> to vector<1x1000x128xf32>
    %reduce_sum3A_18 = arith.constant dense<0.000000e+00> : vector<1xf32>
    %reduce_sum3A_19 = vector.multi_reduction <add>, %reduce_sum3A, %reduce_sum3A_18 [1, 2] : vector<1x1000x128xf32> to vector<1xf32>
    %reduce_sum3A_20 = vector.shape_cast %reduce_sum3A_19 : vector<1xf32> to vector<1x1x1xf32>
    %reduce_sum3A_21 = vector.extract %reduce_sum3A_20[0, 0, 0] : f32 from vector<1x1x1xf32>
    %reshape3A = vector.broadcast %reduce_sum3A_21 : f32 to vector<1x1xf32>
    %eq3A = arith.constant 0 : i32
    %eq3A_22 = arith.cmpi eq, %arg0, %eq3A : i32
    %convert_element_type3A = arith.extui %eq3A_22 : i1 to i32
    %cond3A = arith.constant 0 : i32
    %cond3A_23 = arith.cmpi ne, %convert_element_type3A, %cond3A : i32
    scf.if %cond3A_23 {
      %broadcast_in_dim3A_35 = arith.constant 0.000000e+00 : f32
      %broadcast_in_dim3A_36 = vector.broadcast %broadcast_in_dim3A_35 : f32 to vector<1x1xf32>
      %swap3A_37 = arith.constant 0 : index
      %swap3A_38 = arith.constant 0 : index
      %swap3A_39 = vector.load %arg5[%swap3A_37, %swap3A_38] : memref<1x1xf32, #tpu.memory_space<vmem>>, vector<1x1xf32>
      tpu.vector_store %arg5[%swap3A_37, %swap3A_38], %broadcast_in_dim3A_36 {strides = array<i32>} : memref<1x1xf32, #tpu.memory_space<vmem>>, vector<1x1xf32>,
    } else {
    }
    %get3A_24 = arith.constant 0 : index
    %get3A_25 = arith.constant 0 : index
    %get3A_26 = vector.load %arg5[%get3A_24, %get3A_25] : memref<1x1xf32, #tpu.memory_space<vmem>>, vector<1x1xf32>
    %add3A_27 = arith.addf %get3A_26, %reshape3A : vector<1x1xf32>
    %swap3A = arith.constant 0 : index
    %swap3A_28 = arith.constant 0 : index
    %swap3A_29 = vector.load %arg5[%swap3A, %swap3A_28] : memref<1x1xf32, #tpu.memory_space<vmem>>, vector<1x1xf32>
    tpu.vector_store %arg5[%swap3A, %swap3A_28], %add3A_27 {strides = array<i32>} : memref<1x1xf32, #tpu.memory_space<vmem>>, vector<1x1xf32>,
    %eq3A_30 = arith.constant 9 : i32
    %eq3A_31 = arith.cmpi eq, %arg0, %eq3A_30 : i32
    %convert_element_type3A_32 = arith.extui %eq3A_31 : i1 to i32
    %cond3A_33 = arith.constant 0 : i32
    %cond3A_34 = arith.cmpi ne, %convert_element_type3A_32, %cond3A_33 : i32
    scf.if %cond3A_34 {
      %get3A_35 = arith.constant 0 : index
      %get3A_36 = arith.constant 0 : index
      %get3A_37 = vector.load %arg5[%get3A_35, %get3A_36] : memref<1x1xf32, #tpu.memory_space<vmem>>, vector<1x1xf32>
      %mul3A_38 = arith.constant 1.562500e-06 : f32
      %mul3A_39 = vector.broadcast %mul3A_38 : f32 to vector<1x1xf32>
      %mul3A_40 = arith.mulf %get3A_37, %mul3A_39 : vector<1x1xf32>
      %swap3A_41 = arith.constant 0 : index
      %swap3A_42 = arith.constant 0 : index
      %swap3A_43 = vector.load %arg5[%swap3A_41, %swap3A_42] : memref<1x1xf32, #tpu.memory_space<vmem>>, vector<1x1xf32>
      tpu.vector_store %arg5[%swap3A_41, %swap3A_42], %mul3A_40 {strides = array<i32>} : memref<1x1xf32, #tpu.memory_space<vmem>>, vector<1x1xf32>,
    } else {
    }
    return
  }
  func.func @transform_0(%arg0: i32) -> (i32, i32) {
    %c0_i32 = arith.constant 0 : i32
    %c0_i32_0 = arith.constant 0 : i32
    return %arg0, %c0_i32 : i32, i32
  }
  func.func @transform_1(%arg0: i32) -> (i32, i32) {
    %c0_i32 = arith.constant 0 : i32
    %c0_i32_0 = arith.constant 0 : i32
    return %arg0, %c0_i32 : i32, i32
  }
  func.func @transform_2(%arg0: i32) -> (i32, i32) {
    %c0_i32 = arith.constant 0 : i32
    %c0_i32_0 = arith.constant 0 : i32
    return %arg0, %c0_i32 : i32, i32
  }
  func.func @transform_3(%arg0: i32) -> (i32, i32) {
    %c0_i32 = arith.constant 0 : i32
    %c0_i32_0 = arith.constant 0 : i32
    return %arg0, %c0_i32 : i32, i32
  }
  func.func @transform_4(%arg0: i32) -> (i32, i32) {
    %c0_i32 = arith.constant 0 : i32
    %c0_i32_0 = arith.constant 0 : i32
    %c0_i32_1 = arith.constant 0 : i32
    return %c0_i32, %c0_i32_0 : i32, i32
  }
}

</mosaic_0001>

<sc_bundles>
// kernel: kernel.11.cloned.1.call-start
scs
__scs_entry_jumppad:
0x0: {  	(pc) =	sbr.rel $0x88, $3  }
0x1: {  	(tag) =	ssettag $0x0;
	lr =	simm.s32 $0x1  }
0x2: {  	[smem:$0x3F97] =	sst lr;
	_ =	strace $0xD0000000  }
0x3: {  	_ = 	snop  }
0x4: {  	_ = 	snop  }
0x5: {  	_ = 	snop  }
0x6: {  	_ = 	snop  }
0x7: {  	_ = 	snop  }
__scs_overlays_trampoline_lowered:
0x8: {  	[smem:$0x3FA6] =	sst s0  }
0x9: {  	[smem:$0x3FA7] =	sst s1  }
0xa: {  	[smem:$0x3FA8] =	sst s2  }
0xb: {  	[smem:$0x3FA9] =	sst s3  }
0xc: {  	[smem:$0x3FAA] =	sst s4  }
0xd: {  	[smem:$0x3FAB] =	sst s5  }
0xe: {  	[smem:$0x3FAC] =	sst s6  }
0xf: {  	[smem:$0x3FAD] =	sst s7  }
0x10: {  	[smem:$0x3FAE] =	sst s8  }
0x11: {  	[smem:$0x3FAF] =	sst s9;
	s0 =	simm.s32 @!p0 $0x0  }
0x12: {  	s1 =	sld [smem:$0x3F95];
	s0 =	simm.s32 @p0 $0x1  }
0x13: {  	[smem:$0x3FB0] =	sst s0;
	s0 =	simm.s32 @!p1 $0x0  }
0x14: {  	s2 =	sld [smem:$0x3F94];
	s0 =	simm.s32 @p1 $0x1  }
0x15: {  	[smem:$0x3FB1] =	sst s0;
	s0 =	simm.s32 @!p2 $0x0  }
0x16: {  	s3 =	sld [smem:$0x3FDB];
	s0 =	simm.s32 @p2 $0x1  }
0x17: {  	s4 =	simm.s32 $0x1BF5;
	[smem:$0x3FB3] =	sst s0  }
0x18: {  	s0 =	sld [smem:$0x3F96];
	_ =	swait.ge [sflag:s4], $0x0  }
0x19: {  	s7 =	sld [smem:$0x3F97]  }
0x1a: {  	s8 =	sadd.s32 $0xFFFFE003, lr  }
0x1b: {  	s9 =	sadd.s32 $0xFFFFFEF7, lr;
	s5 =	simm.s32 $0xFFFFFFFF;
	p2 =	slt.u32 s8, $0xFFFFF086  }
0x1c: {  	p1 =	slt.u32 s9, $0xF7A;
	s5 =	simm.s32 @!p2 $0x0  }
0x1d: {  	s5 =	simm.s32 @p1 $0x1;
	p0 =	seq.s32 s7, s2  }
0x1e: {  	s7 =	smul.u32 @!p0 $0xF7A, s2;
	p2 =	seq.s32 @!p0 s5, $0x0  }
0x1f: {  	s9 =	smul.u32 $0xF7A, s1;
	s8 =	simm.s32 @!p0 $0x1BF5;
	p2 =	por !p2, p0  }
0x20: {  	[sflag:s8] =	ssyncset.s32 @!p0 $0xFFFFF086;
	s6 =	sadd.s32 @!p0 s3, s7;
	s7 =	simm.s32 @!p0 $0x108  }
0x21: {  	s3 =	sadd.s32 s3, s9;
	s6 =	sadd.s32 @!p0 $0x88, s6;
	s7 =	simm.s32 @p2 $0x1082  }
0x22: {  	[simem:s7], [sflag:s8] =	dma.local @!p0 [hbm:s6], $0xF7A  }
0x23: {  	s9 =	sor.u32 $0xD0000000, s2;
	s6 =	simm.s32 $0x108;
	_ =	swait.ge @!p0 [sflag:s8], $0x0  }
0x24: {  	s3 =	sadd.s32 $0x88, s3;
	s6 =	simm.s32 @!p1 $0x1082;
	[sflag:s4] =	ssyncset.s32 $0xFFFFF086  }
0x25: {  	[simem:s6], [sflag:s4] =	dma.local [hbm:s3], $0xF7A  }
0x26: {  	[smem:$0x3F97] =	sst s1;
	(tag) =	ssettag s2;
	_ =	strace s9  }
0x27: {  	s1 =	sld [smem:$0x3FA7]  }
0x28: {  	s2 =	sld [smem:$0x3FA8]  }
0x29: {  	s4 =	sld [smem:$0x3FAA]  }
0x2a: {  	p0 =	seq.s32 s5, $0x0;
	s5 =	sld [smem:$0x3FAB]  }
0x2b: {  	s6 =	sld [smem:$0x3FAC]  }
0x2c: {  	s7 =	sld [smem:$0x3FAD]  }
0x2d: {  	s3 =	simm.s32 $0x108;
	s8 =	sld [smem:$0x3FAE]  }
0x2e: {  	s3 =	simm.s32 @!p0 $0x1082;
	s9 =	sld [smem:$0x3FAF]  }
0x2f: {  	lr =	sadd.s32 s0, s3;
	s0 =	sld [smem:$0x3FA6]  }
0x30: {  	s3 =	sld [smem:$0x3FA9]  }
0x31: {  	[smem:$0x3FB2] =	sst s10  }
0x32: {  	s10 =	sld [smem:$0x3FB0];
	_ =	sdelay $0x3  }
0x33: {  	p0 =	seq.s32 s10, $0x1;
	s10 =	sld [smem:$0x3FB2];
	_ =	sdelay $0x3  }
0x34: {  	[smem:$0x3FB2] =	sst s10  }
0x35: {  	s10 =	sld [smem:$0x3FB1];
	_ =	sdelay $0x3  }
0x36: {  	p1 =	seq.s32 s10, $0x1;
	s10 =	sld [smem:$0x3FB2];
	_ =	sdelay $0x3  }
0x37: {  	[smem:$0x3FB2] =	sst s10  }
0x38: {  	s10 =	sld [smem:$0x3FB3]  }
0x39: {  	_ = 	snop;
	(pc) =	sbr.ind lr, $3  }
0x3a: {  	_ = 	snop  }
0x3b: {  	_ = 	snop  }
0x3c: {  	p2 =	seq.s32 s10, $0x1;
	s10 =	sld [smem:$0x3FB2]  }
0x3d: {  	_ =	shalt  }
0x3e: {  	_ =	shalt  }
0x3f: {  	_ =	shalt  }
0x40: {  	_ =	shalt  }
0x41: {  	_ =	shalt  }
0x42: {  	_ =	shalt  }
0x43: {  	_ =	shalt  }
0x44: {  	_ =	shalt  }
0x45: {  	_ =	shalt  }
0x46: {  	_ =	shalt  }
0x47: {  	_ =	shalt  }
0x48: {  	_ =	shalt  }
0x49: {  	_ =	shalt  }
0x4a: {  	_ =	shalt  }
0x4b: {  	_ =	shalt  }
0x4c: {  	_ =	shalt  }
0x4d: {  	_ =	shalt  }
0x4e: {  	_ =	shalt  }
0x4f: {  	_ =	shalt  }
0x50: {  	_ =	shalt  }
0x51: {  	_ =	shalt  }
0x52: {  	_ =	shalt  }
0x53: {  	_ =	shalt  }
0x54: {  	_ =	shalt  }
0x55: {  	_ =	shalt  }
0x56: {  	_ =	shalt  }
0x57: {  	_ =	shalt  }
0x58: {  	_ =	shalt  }
0x59: {  	_ =	shalt  }
0x5a: {  	_ =	shalt  }
0x5b: {  	_ =	shalt  }
0x5c: {  	_ =	shalt  }
0x5d: {  	_ =	shalt  }
0x5e: {  	_ =	shalt  }
0x5f: {  	_ =	shalt  }
0x60: {  	_ =	shalt  }
0x61: {  	_ =	shalt  }
0x62: {  	_ =	shalt  }
0x63: {  	_ =	shalt  }
0x64: {  	_ =	shalt  }
0x65: {  	_ =	shalt  }
0x66: {  	_ =	shalt  }
0x67: {  	_ =	shalt  }
0x68: {  	_ =	shalt  }
0x69: {  	_ =	shalt  }
0x6a: {  	_ =	shalt  }
0x6b: {  	_ =	shalt  }
0x6c: {  	_ =	shalt  }
0x6d: {  	_ =	shalt  }
0x6e: {  	_ =	shalt  }
0x6f: {  	_ =	shalt  }
0x70: {  	_ =	shalt  }
0x71: {  	_ =	shalt  }
0x72: {  	_ =	shalt  }
0x73: {  	_ =	shalt  }
0x74: {  	_ =	shalt  }
0x75: {  	_ =	shalt  }
0x76: {  	_ =	shalt  }
0x77: {  	_ =	shalt  }
0x78: {  	_ =	shalt  }
0x79: {  	_ =	shalt  }
0x7a: {  	_ =	shalt  }
0x7b: {  	_ =	shalt  }
0x7c: {  	_ =	shalt  }
0x7d: {  	_ =	shalt  }
0x7e: {  	_ =	shalt  }
0x7f: {  	_ =	shalt  }
0x80: {  	_ =	shalt  }
0x81: {  	_ =	shalt  }
0x82: {  	_ =	shalt  }
0x83: {  	_ =	shalt  }
0x84: {  	_ =	shalt  }
0x85: {  	_ =	shalt  }
0x86: {  	_ =	shalt  }
0x87: {  	_ =	shalt  }
.Lfunc_end0:
.L_simem_size_0:
called_computation.1_lowered:
.L_overlay_start_0:
0x88: {  	s2 =	sld [smem:$0x3FD9]  }
0x89: {  	s3 =	sld [smem:$0x3FFE];
	_ =	sdelay $0x1  }
0x8a: {  	s1 =	srdreg.scid  }
0x8b: {  	s0 =	sand.u32 $0x1, s1  }
0x8c: {  	s16 =	sshll.u32 s0, $0xA;
	s2 =	sadd.s32 s3, s2  }
0x8d: {  	s2 =	sadd.s32 s2, s16  }
0x8e: {  	[smem:$0x3FBE] =	sst s2  }
0x8f: {  	_ = 	snop  }
0x90: {  	(tm) =	ssettm $0x1  }
0x91: {  	s17 =	sld [smem:$0x3FFB];
	_ =	sdelay $0x3  }
0x92: {  	_ =	strace s17  }
0x93: {  	s2 =	sld [smem:$0x3FFC];
	_ =	sdelay $0x3  }
0x94: {  	_ =	strace s2  }
0x95: {  	s2 =	sld [smem:$0x3FFD];
	_ =	sdelay $0x3  }
0x96: {  	_ =	strace s2  }
0x97: {  	_ =	strace $0x8FFFFFFF  }
0x98: {  	s18 =	sld [smem:$0x3FDB];
	_ =	sdelay $0x1  }
0x99: {  	s19 =	simm.s32 $_scs_section_size  }
0x9a: {  	s4 =	simm.s32 $_size__tile_overlayer_lowered;
	s5 =	simm.s32 $_tile_overlayer_lowered  }
0x9b: {  	s22 =	simm.s32 $0x1BFF;
	s21 =	sshll.u32 s5, $0x1;
	s2 =	sadd.s32 s19, s18  }
0x9c: {  	s6 =	simm.s32 $0x0;
	s20 =	sshll.u32 s4, $0x1;
	s4 =	sadd.s32 s21, s2  }
0x9d: {  	[timem:s6], [sflag:s22] =	dma.local [hbm:s4], s20  }
0x9e: {  	_ =	swait.ge [sflag:s22], s20  }
0x9f: {  	s3 =	ssub.s32 $0x0, s20;
	[sflag:s22] =	ssyncset.done $0x0  }
0xa0: {  	[sflag:s22] =	ssyncadd.s32 s3;
	_ =	sdelay $0x1  }
0xa1: {  	s23 =	simm.s32 $0x1B8B  }
0xa2: {  	_ =	swait.ge [sflag:s23], $0x1  }
0xa3: {  	[sflag:s23] =	ssyncset.done $0x0  }
0xa4: {  	s25 =	simm.s32 $0x1B8E;
	s24 =	sld [smem:$0x3FFE];
	[sflag:s23] =	ssyncadd.s32 $0xFFFFFFFF  }
0xa5: {  	s26 =	simm.s32 $execute0_lowered;
	[smem:$0x3FD2] =	sst s25  }
0xa6: {  	s4 =	sshll.u32 s26, $0x1;
	_ =	strace $0x80000049;
	[dreg:$0x1] =	wrdreg $0xFFFFFFFF  }
0xa7: {  	s28 =	simm.s32 $_size_execute0_lowered;
	s2 =	sadd.s32 s2, s4;
	[dreg:$0x0] =	wrdreg $0x0  }
0xa8: {  	s4 =	sshll.u32 s28, $0x1;
	[dreg:$0x2] =	wrdreg s2  }
0xa9: {  	[dreg:$0x3] =	wrdreg s4  }
0xaa: {  	[dreg:$0x4] =	wrdreg $0xC0  }
0xab: {  	_ =	task [dreg:s6], $0x5FFFF  }
0xac: {  	[dreg:$0x1] =	wrdreg $0xFFFFFFFF  }
0xad: {  	[dreg:$0x0] =	wrdreg $0x60  }
0xae: {  	[dreg:$0x2] =	wrdreg s24  }
0xaf: {  	[dreg:$0x3] =	wrdreg $0x69800  }
0xb0: {  	[dreg:$0x4] =	wrdreg $0x1A9800  }
0xb1: {  	[dreg:$0x5] =	wrdreg $0x9  }
0xb2: {  	_ =	task.clear_ibuf [dreg:s6], $0x6FFFF;
	_ =	strace $0x90000049  }
0xb3: {  	s29 =	simm.s32 $0x9;
	_ =	strace $0x8000004B  }
0xb4: {  	_ =	swait.ge [sflag:s29], $0x1  }
0xb5: {  	[sflag:s29] =	ssyncadd.s32 $0xFFFFFFFF  }
0xb6: {  	_ =	strace $0x9000004B  }
0xb7: {  	_ =	sfence  }
0xb8: {  	s30 =	sld [smem:$0x0];
	_ =	sdelay $0x2  }
0xb9: {  	s31 =	sshll.u32 s1, $0xD;
	s1 =	sshrl.u32 s1, $0x2  }
0xba: {  	s3 =	sand.u32 $0x4000, s31;
	s1 =	sadd.s32 s1, s30  }
0xbb: {  	s0 =	sor.u32 s3, s0;
	s1 =	sshll.u32 s1, $0x11  }
0xbc: {  	s0 =	sor.u32 s1, s0  }
0xbd: {  	s0 =	sadd.s32 $0x8F2B, s0  }
0xbe: {  	[sflag:s0] =	ssyncadd.remote.s32 $0x1  }
0xbf: {  	_ =	sfence.sel $0xFFFF  }
0xc0: {  	[dreg:$0x0] =	wrdreg $0xFFFFFFFF;
	(pc) =	sbr.abs _section_cstart, $3  }
0xc1: {  	[dreg:$0x1] =	wrdreg $0xFFFFFFFF  }
0xc2: {  	_ =	task.clear_ibuf [dreg:s6], $0x2FFFF;
	_ =	strace $0x9FFFFFFF  }
0xc3: {  	(tm) =	ssettm $0x7FFFFFFF  }
tec
execute0_lowered:
.L_overlay_start_1:
0x0: {  	(tag) =	ssettag $0x1  }
0x1: {  	s0 =	rddreg [dreg:$0x0];
	s1 =	srdreg.scid  }
0x2: {  	s11 =	stileid.u32;
	s2 =	rddreg [dreg:$0x1]  }
0x3: {  	s3 =	rddreg [dreg:$0x2];
	s7 =	smul.u32 $0x4E20, s11  }
0x4: {  	s4 =	simm.s32 $0x0;
	s30 =	simm.s32 $0x2980;
	s10 =	smul.u32 $0x280, s11  }
0x5: {  	s31 =	simm.s32 $0x3;
	s1 =	sand.u32 $0x1, s1;
	s11 =	smul.u32 $0x50000, s11  }
0x6: {  	[smem:$0x7FF] =	sst s4;
	s5 =	sadd.s32 $0x17400, s0;
	s8 =	smul.u32 $0x2710, s1  }
0x7: {  	s6 =	sadd.s32 $0x65800, s0;
	s9 =	smul.u32 $0x2800, s1;
	s1 =	ssub.s32 $0x2, s1  }
0x8: {  	_ =	strace $0x8000004A;
	s18 =	sshrl.u32 s1, $0x1;
	s19 =	sshrl.u32 s11, $0x2  }
0x9: {  	s7 =	sadd.s32 s8, s7;
	s16 =	sadd.s32 s10, s9;
	s1 =	ssub.s32 s1, s18  }
0xa: {  	s10 =	sadd.s32 s10, s3;
	s7 =	sshrl.u32 s7, $0x3;
	s9 =	sshll.u32 s16, $0x4  }
0xb: {  	s17 =	sshrl.u32 s16, $0x3;
	s15 =	sadd.s32 $0x50, s10;
	s20 =	sadd.s32 $0xA0, s10  }
0xc: {  	s21 =	sadd.s32 $0xF0, s10;
	s22 =	sadd.s32 $0x140, s10;
	s28 =	sadd.s32 $0x1E0, s10  }
0xd: {  	s29 =	sadd.s32 $0x230, s10;
	s16 =	simm.s32 $0x2;
	[dreg:$0x4] =	wrdreg s15  }
0xe: {  	s13 =	sadd.s32 s7, s0;
	s14 =	sadd.s32 s9, s0;
	[dreg:$0x5] =	wrdreg s20  }
0xf: {  	s0 =	sadd.s32 s17, s0;
	s7 =	sadd.s32 s19, s2;
	[dreg:$0x6] =	wrdreg s21  }
0x10: {  	[dreg:$0x7] =	wrdreg s22;
	s15 =	simm.s32 $0x1;
	s23 =	sadd.s32 $0x65E00, s14  }
0x11: {  	s17 =	simm.s32 $0x0;
	s24 =	sadd.s32 $0x66600, s14;
	[dreg:$0x8] =	wrdreg s23  }
0x12: {  	s8 =	sadd.s32 $0x4000, s7;
	s25 =	sadd.s32 $0x66E00, s14;
	[dreg:$0x9] =	wrdreg s24  }
0x13: {  	s9 =	sadd.s32 $0x8000, s7;
	s26 =	sadd.s32 $0x67600, s14;
	[dreg:$0xa] =	wrdreg s25  }
0x14: {  	s11 =	sadd.s32 $0xC000, s7;
	s14 =	sadd.s32 $0x67E00, s14;
	[dreg:$0xb] =	wrdreg s26  }
0x15: {  	s12 =	sadd.s32 $0x10000, s7;
	s0 =	sadd.s32 $0xB5E00, s0;
	[dreg:$0xc] =	wrdreg s14  }
0x16: {  	[dreg:$0xd] =	wrdreg s0;
	s23 =	smax.u32 s1, $0x1;
	s24 =	sadd.s32 $0x3800, s13  }
0x17: {  	s25 =	sadd.s32 $0xD600, s13;
	s26 =	sadd.s32 $0x190, s10;
	s1 =	simm.s32 $0x2900  }
0x18: {  	v0 =	vimm.f32 $0.0e+00;
	s0 =	simm.s32 $0x80;
	s13 =	simm.s32 $0x50;
	s14 =	simm.s32 $0x100  }
.LBB2_1:
0x19: {  	s18 =	simm.s32 $0x0;
	s19 =	simm.s32 $0x200  }
.LBB2_2:
0x1a: {  	p0 =	sne.s32 s19, $0xFE00;
	[tilespmem:s18+$0x29F0] =	vst v0  }
0x1b: {  	[tilespmem:s18+$0x2980] =	vst v0  }
0x1c: {  	[tilespmem:s18+$0x2990] =	vst v0  }
.Ltmp0:
0x1d: {  	[tilespmem:s18+$0x29A0] =	vst v0;
	(pc) =	sbr.rel @p0 .LBB2_2-.Ltmp0, $4  }
0x1e: {  	[tilespmem:s18+$0x29B0] =	vst v0  }
0x1f: {  	[tilespmem:s18+$0x29C0] =	vst v0  }
0x20: {  	[tilespmem:s18+$0x29D0] =	vst v0  }
0x21: {  	[tilespmem:s18+$0x29E0] =	vst v0;
	s18 =	sshra.s32 s19, $0x2;
	s19 =	sadd.s32 $0x200, s19  }
0x22: {  	[tilespmem:s18+$0x29F0] =	vst v0  }
0x23: {  	[tilespmem:s18+$0x2980] =	vst v0  }
0x24: {  	[tilespmem:s18+$0x2990] =	vst v0  }
0x25: {  	[tilespmem:s18+$0x29A0] =	vst v0  }
0x26: {  	[tilespmem:s18+$0x29B0] =	vst v0  }
0x27: {  	[tilespmem:s18+$0x29C0] =	vst v0  }
0x28: {  	[tilespmem:s18+$0x29D0] =	vst v0  }
0x29: {  	[tilespmem:s18+$0x29E0] =	vst v0  }
0x2a: {  	[tilespmem:$0x2900] =	vst v0  }
0x2b: {  	[tilespmem:$0x2910] =	vst v0  }
0x2c: {  	[tilespmem:$0x2920] =	vst v0  }
0x2d: {  	[tilespmem:$0x2930] =	vst v0  }
0x2e: {  	[tilespmem:$0x2940] =	vst v0  }
0x2f: {  	[spmem:s7] =	stream.linear.scatter [tilespmem:s30], [sflag:$0x3], $0x4000, $0x38;
	[tilespmem:$0x1AC00] =	vst v63  }
0x30: {  	_ =	swait.ge [sflag:s31], $0x4000  }
0x31: {  	[sflag:s31] =	ssyncset.done $0x0  }
0x32: {  	[sflag:s31] =	ssyncadd.s32 $0xFFFFC000  }
0x33: {  	[spmem:s8] =	stream.linear.scatter [tilespmem:s30], [sflag:$0x3], $0x4000, $0x38;
	[tilespmem:$0x1AC00] =	vst v63  }
0x34: {  	_ =	swait.ge [sflag:s31], $0x4000  }
0x35: {  	[sflag:s31] =	ssyncset.done $0x0  }
0x36: {  	[sflag:s31] =	ssyncadd.s32 $0xFFFFC000  }
0x37: {  	[spmem:s9] =	stream.linear.scatter [tilespmem:s30], [sflag:$0x3], $0x4000, $0x38;
	[tilespmem:$0x1AC00] =	vst v63  }
0x38: {  	_ =	swait.ge [sflag:s31], $0x4000  }
0x39: {  	[sflag:s31] =	ssyncset.done $0x0  }
0x3a: {  	[sflag:s31] =	ssyncadd.s32 $0xFFFFC000  }
0x3b: {  	[spmem:s11] =	stream.linear.scatter [tilespmem:s30], [sflag:$0x3], $0x4000, $0x38;
	[tilespmem:$0x1AC00] =	vst v63  }
0x3c: {  	_ =	swait.ge [sflag:s31], $0x4000  }
0x3d: {  	[sflag:s31] =	ssyncset.done $0x0  }
0x3e: {  	[sflag:s31] =	ssyncadd.s32 $0xFFFFC000  }
0x3f: {  	[spmem:s12] =	stream.linear.scatter [tilespmem:s30], [sflag:$0x3], $0x4000, $0x38;
	[tilespmem:$0x1AC00] =	vst v63  }
0x40: {  	_ =	swait.ge [sflag:s31], $0x4000  }
0x41: {  	[sflag:s31] =	ssyncset.done $0x0  }
0x42: {  	[sflag:s31] =	ssyncadd.s32 $0xFFFFC000  }
0x43: {  	[spmem:s10] =	stream.linear.scatter [tilespmem:s1], [sflag:$0x3], $0x50, $0x38;
	[tilespmem:$0x1AC00] =	vst v63  }
0x44: {  	_ =	swait.ge [sflag:s31], $0x50  }
0x45: {  	[sflag:s31] =	ssyncset.done $0x0  }
0x46: {  	s21 =	rddreg [dreg:$0x4];
	[sflag:s31] =	ssyncadd.s32 $0xFFFFFFB0  }
0x47: {  	[spmem:s21] =	stream.linear.scatter [tilespmem:s1], [sflag:$0x3], $0x50, $0x38;
	[tilespmem:$0x1AC00] =	vst v63  }
0x48: {  	_ =	swait.ge [sflag:s31], $0x50  }
0x49: {  	[sflag:s31] =	ssyncset.done $0x0  }
0x4a: {  	s22 =	rddreg [dreg:$0x5];
	[sflag:s31] =	ssyncadd.s32 $0xFFFFFFB0  }
0x4b: {  	[spmem:s22] =	stream.linear.scatter [tilespmem:s1], [sflag:$0x3], $0x50, $0x38;
	[tilespmem:$0x1AC00] =	vst v63  }
0x4c: {  	_ =	swait.ge [sflag:s31], $0x50  }
0x4d: {  	[sflag:s31] =	ssyncset.done $0x0  }
0x4e: {  	s19 =	rddreg [dreg:$0x6];
	[sflag:s31] =	ssyncadd.s32 $0xFFFFFFB0  }
0x4f: {  	[spmem:s19] =	stream.linear.scatter [tilespmem:s1], [sflag:$0x3], $0x50, $0x38;
	[tilespmem:$0x1AC00] =	vst v63  }
0x50: {  	_ =	swait.ge [sflag:s31], $0x50  }
0x51: {  	[sflag:s31] =	ssyncset.done $0x0  }
0x52: {  	s20 =	rddreg [dreg:$0x7];
	[sflag:s31] =	ssyncadd.s32 $0xFFFFFFB0  }
0x53: {  	[spmem:s20] =	stream.linear.scatter [tilespmem:s1], [sflag:$0x3], $0x50, $0x38;
	[tilespmem:$0x1AC00] =	vst v63  }
0x54: {  	_ =	swait.ge [sflag:s31], $0x50  }
0x55: {  	[sflag:s31] =	ssyncset.done $0x0  }
0x56: {  	[sflag:s31] =	ssyncadd.s32 $0xFFFFFFB0  }
0x57: {  	[spmem:s26] =	stream.linear.scatter [tilespmem:s1], [sflag:$0x3], $0x50, $0x38;
	[tilespmem:$0x1AC00] =	vst v63  }
0x58: {  	_ =	swait.ge [sflag:s31], $0x50  }
0x59: {  	[sflag:s31] =	ssyncset.done $0x0  }
0x5a: {  	[sflag:s31] =	ssyncadd.s32 $0xFFFFFFB0  }
0x5b: {  	[spmem:s28] =	stream.linear.scatter [tilespmem:s1], [sflag:$0x3], $0x50, $0x38;
	[tilespmem:$0x1AC00] =	vst v63  }
0x5c: {  	_ =	swait.ge [sflag:s31], $0x50  }
0x5d: {  	[sflag:s31] =	ssyncset.done $0x0  }
0x5e: {  	[sflag:s31] =	ssyncadd.s32 $0xFFFFFFB0  }
0x5f: {  	[spmem:s29] =	stream.linear.scatter [tilespmem:s1], [sflag:$0x3], $0x50, $0x38;
	[tilespmem:$0x1AC00] =	vst v63  }
0x60: {  	_ =	swait.ge [sflag:s31], $0x50  }
0x61: {  	[sflag:s31] =	ssyncset.done $0x0  }
0x62: {  	[sflag:s31] =	ssyncadd.s32 $0xFFFFFFB0  }
0x63: {  	s21 =	sadd.s32 $0x0, s25;
	[bflag:$0x0] =	sbarrier.arrive $0xFFFF  }
0x64: {  	[tilespmem:s4], [sflag:$0x3] =	stream.linear.gather [hbm4b:s21+s4], $0x50, $0x38;
	[tilespmem:$0x1AC00] =	vst v63  }
0x65: {  	_ =	swait.ge [sflag:s31], $0x50  }
0x66: {  	[sflag:s31] =	ssyncset.done $0x0  }
0x67: {  	s22 =	sadd.s32 $0x0, s24;
	[sflag:s31] =	ssyncadd.s32 $0xFFFFFFB0  }
0x68: {  	[tilespmem:s0], [sflag:$0x3] =	stream.linear.gather [hbm4b:s22+s4], $0x50, $0x38;
	[tilespmem:$0x1AC00] =	vst v63  }
0x69: {  	_ =	swait.ge [sflag:s31], $0x50  }
0x6a: {  	[sflag:s31] =	ssyncset.done $0x0  }
0x6b: {  	[sflag:s31] =	ssyncadd.s32 $0xFFFFFFB0  }
0x6c: {  	[tilespmem:s14], [sflag:$0x1] =	stream.indirect.gather [hbm4b:s5+s13], $0x80, s4, s13, $0xb8;
	[tilespmem:$0x1AC00] =	vst v63  }
0x6d: {  	_ = 	snop  }
0x6e: {  	[tilespmem:s1], [sflag:$0x2] =	stream.indirect.gather [hbm4b:s6+s13], $0x1, s4, s13, $0xb8;
	[tilespmem:$0x1AC00] =	vst v63  }
0x6f: {  	_ =	swait.ge [sflag:s15], $0x2800  }
0x70: {  	[sflag:s15] =	ssyncset.done $0x0  }
0x71: {  	[sflag:s15] =	ssyncadd.s32 $0xFFFFD800  }
0x72: {  	_ =	swait.ge [sflag:s16], $0x50  }
0x73: {  	[sflag:s16] =	ssyncset.done $0x0  }
0x74: {  	[sflag:s16] =	ssyncadd.s32 $0xFFFFFFB0  }
0x75: {  	[spmem:s2] =	stream.indirect.scatter.add.f32 [tilespmem:s14], [sflag:$0x3], $0x80, s0, s13, $0xb8;
	[tilespmem:$0x1AC00] =	vst v63  }
0x76: {  	_ =	swait.ge [sflag:s31], $0x2800  }
0x77: {  	[sflag:s31] =	ssyncset.done $0x0  }
0x78: {  	[sflag:s31] =	ssyncadd.s32 $0xFFFFD800  }
0x79: {  	[spmem:s3] =	stream.indirect.scatter.add.f32 [tilespmem:s1], [sflag:$0x3], $0x1, s0, s13, $0xb8;
	[tilespmem:$0x1AC00] =	vst v63  }
0x7a: {  	_ =	swait.ge [sflag:s31], $0x50  }
0x7b: {  	s18 =	simm.s32 $0xA;
	s19 =	simm.s32 $0x14;
	[sflag:s31] =	ssyncset.done $0x0  }
.LBB2_4:
0x7c: {  	s20 =	sadd.s32 s18, s25  }
0x7d: {  	[sflag:s31] =	ssyncadd.s32 $0xFFFFFFB0;
	s21 =	smov.u32 s19;
	s22 =	sadd.s32 $0xA, s19  }
0x7e: {  	[tilespmem:s4], [sflag:$0x3] =	stream.linear.gather [hbm4b:s20+s4], $0x50, $0x38;
	[tilespmem:$0x1AC00] =	vst v63  }
0x7f: {  	p0 =	sne.s32 s19, $0x4D8;
	_ =	swait.ge [sflag:s31], $0x50  }
0x80: {  	[sflag:s31] =	ssyncset.done $0x0  }
0x81: {  	s19 =	sadd.s32 s18, s24;
	s18 =	smov.u32 s21;
	[sflag:s31] =	ssyncadd.s32 $0xFFFFFFB0  }
0x82: {  	[tilespmem:s0], [sflag:$0x3] =	stream.linear.gather [hbm4b:s19+s4], $0x50, $0x38;
	[tilespmem:$0x1AC00] =	vst v63  }
0x83: {  	_ =	swait.ge [sflag:s31], $0x50  }
0x84: {  	[sflag:s31] =	ssyncset.done $0x0  }
0x85: {  	[sflag:s31] =	ssyncadd.s32 $0xFFFFFFB0  }
0x86: {  	[tilespmem:s14], [sflag:$0x1] =	stream.indirect.gather [hbm4b:s5+s13], $0x80, s4, s13, $0xb8;
	[tilespmem:$0x1AC00] =	vst v63  }
0x87: {  	_ = 	snop  }
0x88: {  	[tilespmem:s1], [sflag:$0x2] =	stream.indirect.gather [hbm4b:s6+s13], $0x1, s4, s13, $0xb8;
	[tilespmem:$0x1AC00] =	vst v63  }
0x89: {  	_ =	swait.ge [sflag:s15], $0x2800  }
0x8a: {  	[sflag:s15] =	ssyncset.done $0x0  }
0x8b: {  	[sflag:s15] =	ssyncadd.s32 $0xFFFFD800  }
0x8c: {  	_ =	swait.ge [sflag:s16], $0x50  }
0x8d: {  	[sflag:s16] =	ssyncset.done $0x0  }
0x8e: {  	[sflag:s16] =	ssyncadd.s32 $0xFFFFFFB0  }
0x8f: {  	[spmem:s2] =	stream.indirect.scatter.add.f32 [tilespmem:s14], [sflag:$0x3], $0x80, s0, s13, $0xb8;
	[tilespmem:$0x1AC00] =	vst v63  }
0x90: {  	_ =	swait.ge [sflag:s31], $0x2800  }
.Ltmp1:
0x91: {  	[sflag:s31] =	ssyncset.done $0x0;
	(pc) =	sbr.rel @p0 .LBB2_4-.Ltmp1, $4  }
0x92: {  	[sflag:s31] =	ssyncadd.s32 $0xFFFFD800  }
0x93: {  	[spmem:s3] =	stream.indirect.scatter.add.f32 [tilespmem:s1], [sflag:$0x3], $0x1, s0, s13, $0xb8;
	[tilespmem:$0x1AC00] =	vst v63  }
0x94: {  	_ =	swait.ge [sflag:s31], $0x50  }
0x95: {  	s19 =	smov.u32 s22;
	[sflag:s31] =	ssyncset.done $0x0  }
0x96: {  	s19 =	sadd.s32 s18, s25;
	[sflag:s31] =	ssyncadd.s32 $0xFFFFFFB0  }
0x97: {  	[tilespmem:s4], [sflag:$0x3] =	stream.linear.gather [hbm4b:s19+s4], $0x50, $0x38;
	[tilespmem:$0x1AC00] =	vst v63  }
0x98: {  	_ =	swait.ge [sflag:s31], $0x50  }
0x99: {  	[sflag:s31] =	ssyncset.done $0x0  }
0x9a: {  	s20 =	sadd.s32 s18, s24;
	[sflag:s31] =	ssyncadd.s32 $0xFFFFFFB0  }
0x9b: {  	[tilespmem:s0], [sflag:$0x3] =	stream.linear.gather [hbm4b:s20+s4], $0x50, $0x38;
	[tilespmem:$0x1AC00] =	vst v63  }
0x9c: {  	_ =	swait.ge [sflag:s31], $0x50  }
0x9d: {  	[sflag:s31] =	ssyncset.done $0x0  }
0x9e: {  	[sflag:s31] =	ssyncadd.s32 $0xFFFFFFB0  }
0x9f: {  	[tilespmem:s14], [sflag:$0x1] =	stream.indirect.gather [hbm4b:s5+s13], $0x80, s4, s13, $0xb8;
	[tilespmem:$0x1AC00] =	vst v63  }
0xa0: {  	_ = 	snop  }
0xa1: {  	[tilespmem:s1], [sflag:$0x2] =	stream.indirect.gather [hbm4b:s6+s13], $0x1, s4, s13, $0xb8;
	[tilespmem:$0x1AC00] =	vst v63  }
0xa2: {  	_ =	swait.ge [sflag:s15], $0x2800  }
0xa3: {  	[sflag:s15] =	ssyncset.done $0x0  }
0xa4: {  	[sflag:s15] =	ssyncadd.s32 $0xFFFFD800  }
0xa5: {  	_ =	swait.ge [sflag:s16], $0x50  }
0xa6: {  	[sflag:s16] =	ssyncset.done $0x0  }
0xa7: {  	[sflag:s16] =	ssyncadd.s32 $0xFFFFFFB0  }
0xa8: {  	[spmem:s2] =	stream.indirect.scatter.add.f32 [tilespmem:s14], [sflag:$0x3], $0x80, s0, s13, $0xb8;
	[tilespmem:$0x1AC00] =	vst v63  }
0xa9: {  	_ =	swait.ge [sflag:s31], $0x2800  }
0xaa: {  	[sflag:s31] =	ssyncset.done $0x0  }
0xab: {  	[sflag:s31] =	ssyncadd.s32 $0xFFFFD800  }
0xac: {  	[spmem:s3] =	stream.indirect.scatter.add.f32 [tilespmem:s1], [sflag:$0x3], $0x1, s0, s13, $0xb8;
	[tilespmem:$0x1AC00] =	vst v63  }
0xad: {  	_ =	swait.ge [sflag:s31], $0x50  }
0xae: {  	[sflag:s31] =	ssyncset.done $0x0  }
0xaf: {  	s21 =	stileid.u32;
	[sflag:s31] =	ssyncadd.s32 $0xFFFFFFB0  }
0xb0: {  	s18 =	sshll.u32 s21, $0x6;
	[bflag:$0x0] =	sbarrier.arrive $0xFFFF  }
0xb1: {  	s22 =	sshrl.u32 s7, $0x3;
	s18 =	sor.u32 $0x1C03, s18;
	s20 =	rddreg [dreg:$0x8]  }
0xb2: {  	[hbm:s20], [sflag:s18] =	dma.local [spmem:s22], $0x800  }
0xb3: {  	_ =	swait.ge [sflag:s31], $0x800  }
0xb4: {  	[sflag:s31] =	ssyncset.done $0x0  }
0xb5: {  	s21 =	sshrl.u32 s8, $0x3;
	s22 =	rddreg [dreg:$0x9];
	[sflag:s31] =	ssyncadd.s32 $0xFFFFF800  }
0xb6: {  	[hbm:s22], [sflag:s18] =	dma.local [spmem:s21], $0x800  }
0xb7: {  	_ =	swait.ge [sflag:s31], $0x800  }
0xb8: {  	[sflag:s31] =	ssyncset.done $0x0  }
0xb9: {  	s21 =	sshrl.u32 s9, $0x3;
	s22 =	rddreg [dreg:$0xa];
	[sflag:s31] =	ssyncadd.s32 $0xFFFFF800  }
0xba: {  	[hbm:s22], [sflag:s18] =	dma.local [spmem:s21], $0x800  }
0xbb: {  	_ =	swait.ge [sflag:s31], $0x800  }
0xbc: {  	[sflag:s31] =	ssyncset.done $0x0  }
0xbd: {  	s21 =	sshrl.u32 s11, $0x3;
	s22 =	rddreg [dreg:$0xb];
	[sflag:s31] =	ssyncadd.s32 $0xFFFFF800  }
0xbe: {  	[hbm:s22], [sflag:s18] =	dma.local [spmem:s21], $0x800  }
0xbf: {  	_ =	swait.ge [sflag:s31], $0x800  }
0xc0: {  	[sflag:s31] =	ssyncset.done $0x0  }
0xc1: {  	s21 =	sshrl.u32 s12, $0x3;
	s22 =	rddreg [dreg:$0xc];
	[sflag:s31] =	ssyncadd.s32 $0xFFFFF800  }
0xc2: {  	[hbm:s22], [sflag:s18] =	dma.local [spmem:s21], $0x800  }
0xc3: {  	s17 =	sadd.s32 $0x1, s17;
	_ =	swait.ge [sflag:s31], $0x800  }
0xc4: {  	p0 =	sne.s32 s17, s23;
	s21 =	sshrl.u32 s10, $0x3;
	[sflag:s31] =	ssyncset.done $0x0  }
.Ltmp2:
0xc5: {  	s22 =	rddreg [dreg:$0xd];
	[sflag:s31] =	ssyncadd.s32 $0xFFFFF800;
	(pc) =	sbr.rel @p0 .LBB2_1-.Ltmp2, $4  }
0xc6: {  	[hbm:s22], [sflag:s18] =	dma.local [spmem:s21], $0x50  }
0xc7: {  	_ =	swait.ge [sflag:s31], $0x50  }
0xc8: {  	[sflag:s31] =	ssyncset.done $0x0  }
0xc9: {  	[sflag:s31] =	ssyncadd.s32 $0xFFFFFFB0  }
0xca: {  	_ =	sfence.sel $0x180000  }
0xcb: {  	[bflag:$0x0] =	sbarrier.arrive $0xFFFF  }
0xcc: {  	_ =	strace $0x9000004A  }
0xcd: {  	s0 =	stileid.u32;
	[bflag:$0x2] =	sbarrier.arrive $0xFFFF  }
0xce: {  	p0 =	sne.s32 s0, $0x0;
	s0 =	rddreg [dreg:$0x3]  }
0xcf: {  	s0 =	sadd.s32 @!p0 $0x100000, s0  }
0xd0: {  	[sflag:s0] =	ssyncadd.tile.s32 @!p0 $0x1;
	_ =	shalt  }
.Lfunc_end2:
_tile_overlayer_lowered:
.L_overlay_start_2:
0xd1: {  	(tag) =	ssettag $0x2  }
0xd2: {  	s0 =	rddreg [dreg:$0x0];
	s2 =	stileid.u32  }
0xd3: {  	s1 =	rddreg [dreg:$0x1];
	p0 =	sne.s32 s2, $0x0  }
0xd4: {  	s3 =	rddreg [dreg:$0x2];
	[bflag:$0x3] =	sbarrier.arrive $0xFFFF;
	s2 =	simm.s32 @!p0 $0x1C03  }
0xd5: {  	[timem:s3], [sflag:s2] =	dma.local @!p0 [hbm:s0], s1  }
0xd6: {  	s0 =	simm.s32 @!p0 $0x3  }
0xd7: {  	_ =	swait.ge @!p0 [sflag:s0], s1  }
0xd8: {  	s1 =	ssub.s32 @!p0 $0x0, s1;
	[sflag:s0] =	ssyncset.done @!p0 $0x0  }
0xd9: {  	[sflag:s0] =	ssyncadd.s32 @!p0 s1  }
0xda: {  	[bflag:$0x3] =	sbarrier.arrive $0xFFFF  }
0xdb: {  	_ =	shalt  }

// kernel: kernel.14.cloned.1.call-start
scs
__scs_entry_jumppad:
0x0: {  	(pc) =	sbr.rel $0x88, $3  }
0x1: {  	(tag) =	ssettag $0x0;
	lr =	simm.s32 $0x1  }
0x2: {  	[smem:$0x3F97] =	sst lr;
	_ =	strace $0xD0000000  }
0x3: {  	_ = 	snop  }
0x4: {  	_ = 	snop  }
0x5: {  	_ = 	snop  }
0x6: {  	_ = 	snop  }
0x7: {  	_ = 	snop  }
__scs_overlays_trampoline_lowered:
0x8: {  	[smem:$0x3FA6] =	sst s0  }
0x9: {  	[smem:$0x3FA7] =	sst s1  }
0xa: {  	[smem:$0x3FA8] =	sst s2  }
0xb: {  	[smem:$0x3FA9] =	sst s3  }
0xc: {  	[smem:$0x3FAA] =	sst s4  }
0xd: {  	[smem:$0x3FAB] =	sst s5  }
0xe: {  	[smem:$0x3FAC] =	sst s6  }
0xf: {  	[smem:$0x3FAD] =	sst s7  }
0x10: {  	[smem:$0x3FAE] =	sst s8  }
0x11: {  	[smem:$0x3FAF] =	sst s9;
	s0 =	simm.s32 @!p0 $0x0  }
0x12: {  	s1 =	sld [smem:$0x3F95];
	s0 =	simm.s32 @p0 $0x1  }
0x13: {  	[smem:$0x3FB0] =	sst s0;
	s0 =	simm.s32 @!p1 $0x0  }
0x14: {  	s2 =	sld [smem:$0x3F94];
	s0 =	simm.s32 @p1 $0x1  }
0x15: {  	[smem:$0x3FB1] =	sst s0;
	s0 =	simm.s32 @!p2 $0x0  }
0x16: {  	s3 =	sld [smem:$0x3FDB];
	s0 =	simm.s32 @p2 $0x1  }
0x17: {  	s4 =	simm.s32 $0x1BF5;
	[smem:$0x3FB3] =	sst s0  }
0x18: {  	s0 =	sld [smem:$0x3F96];
	_ =	swait.ge [sflag:s4], $0x0  }
0x19: {  	s7 =	sld [smem:$0x3F97]  }
0x1a: {  	s8 =	sadd.s32 $0xFFFFE003, lr  }
0x1b: {  	s9 =	sadd.s32 $0xFFFFFEF7, lr;
	s5 =	simm.s32 $0xFFFFFFFF;
	p2 =	slt.u32 s8, $0xFFFFF086  }
0x1c: {  	p1 =	slt.u32 s9, $0xF7A;
	s5 =	simm.s32 @!p2 $0x0  }
0x1d: {  	s5 =	simm.s32 @p1 $0x1;
	p0 =	seq.s32 s7, s2  }
0x1e: {  	s7 =	smul.u32 @!p0 $0xF7A, s2;
	p2 =	seq.s32 @!p0 s5, $0x0  }
0x1f: {  	s9 =	smul.u32 $0xF7A, s1;
	s8 =	simm.s32 @!p0 $0x1BF5;
	p2 =	por !p2, p0  }
0x20: {  	[sflag:s8] =	ssyncset.s32 @!p0 $0xFFFFF086;
	s6 =	sadd.s32 @!p0 s3, s7;
	s7 =	simm.s32 @!p0 $0x108  }
0x21: {  	s3 =	sadd.s32 s3, s9;
	s6 =	sadd.s32 @!p0 $0x88, s6;
	s7 =	simm.s32 @p2 $0x1082  }
0x22: {  	[simem:s7], [sflag:s8] =	dma.local @!p0 [hbm:s6], $0xF7A  }
0x23: {  	s9 =	sor.u32 $0xD0000000, s2;
	s6 =	simm.s32 $0x108;
	_ =	swait.ge @!p0 [sflag:s8], $0x0  }
0x24: {  	s3 =	sadd.s32 $0x88, s3;
	s6 =	simm.s32 @!p1 $0x1082;
	[sflag:s4] =	ssyncset.s32 $0xFFFFF086  }
0x25: {  	[simem:s6], [sflag:s4] =	dma.local [hbm:s3], $0xF7A  }
0x26: {  	[smem:$0x3F97] =	sst s1;
	(tag) =	ssettag s2;
	_ =	strace s9  }
0x27: {  	s1 =	sld [smem:$0x3FA7]  }
0x28: {  	s2 =	sld [smem:$0x3FA8]  }
0x29: {  	s4 =	sld [smem:$0x3FAA]  }
0x2a: {  	p0 =	seq.s32 s5, $0x0;
	s5 =	sld [smem:$0x3FAB]  }
0x2b: {  	s6 =	sld [smem:$0x3FAC]  }
0x2c: {  	s7 =	sld [smem:$0x3FAD]  }
0x2d: {  	s3 =	simm.s32 $0x108;
	s8 =	sld [smem:$0x3FAE]  }
0x2e: {  	s3 =	simm.s32 @!p0 $0x1082;
	s9 =	sld [smem:$0x3FAF]  }
0x2f: {  	lr =	sadd.s32 s0, s3;
	s0 =	sld [smem:$0x3FA6]  }
0x30: {  	s3 =	sld [smem:$0x3FA9]  }
0x31: {  	[smem:$0x3FB2] =	sst s10  }
0x32: {  	s10 =	sld [smem:$0x3FB0];
	_ =	sdelay $0x3  }
0x33: {  	p0 =	seq.s32 s10, $0x1;
	s10 =	sld [smem:$0x3FB2];
	_ =	sdelay $0x3  }
0x34: {  	[smem:$0x3FB2] =	sst s10  }
0x35: {  	s10 =	sld [smem:$0x3FB1];
	_ =	sdelay $0x3  }
0x36: {  	p1 =	seq.s32 s10, $0x1;
	s10 =	sld [smem:$0x3FB2];
	_ =	sdelay $0x3  }
0x37: {  	[smem:$0x3FB2] =	sst s10  }
0x38: {  	s10 =	sld [smem:$0x3FB3]  }
0x39: {  	_ = 	snop;
	(pc) =	sbr.ind lr, $3  }
0x3a: {  	_ = 	snop  }
0x3b: {  	_ = 	snop  }
0x3c: {  	p2 =	seq.s32 s10, $0x1;
	s10 =	sld [smem:$0x3FB2]  }
0x3d: {  	_ =	shalt  }
0x3e: {  	_ =	shalt  }
0x3f: {  	_ =	shalt  }
0x40: {  	_ =	shalt  }
0x41: {  	_ =	shalt  }
0x42: {  	_ =	shalt  }
0x43: {  	_ =	shalt  }
0x44: {  	_ =	shalt  }
0x45: {  	_ =	shalt  }
0x46: {  	_ =	shalt  }
0x47: {  	_ =	shalt  }
0x48: {  	_ =	shalt  }
0x49: {  	_ =	shalt  }
0x4a: {  	_ =	shalt  }
0x4b: {  	_ =	shalt  }
0x4c: {  	_ =	shalt  }
0x4d: {  	_ =	shalt  }
0x4e: {  	_ =	shalt  }
0x4f: {  	_ =	shalt  }
0x50: {  	_ =	shalt  }
0x51: {  	_ =	shalt  }
0x52: {  	_ =	shalt  }
0x53: {  	_ =	shalt  }
0x54: {  	_ =	shalt  }
0x55: {  	_ =	shalt  }
0x56: {  	_ =	shalt  }
0x57: {  	_ =	shalt  }
0x58: {  	_ =	shalt  }
0x59: {  	_ =	shalt  }
0x5a: {  	_ =	shalt  }
0x5b: {  	_ =	shalt  }
0x5c: {  	_ =	shalt  }
0x5d: {  	_ =	shalt  }
0x5e: {  	_ =	shalt  }
0x5f: {  	_ =	shalt  }
0x60: {  	_ =	shalt  }
0x61: {  	_ =	shalt  }
0x62: {  	_ =	shalt  }
0x63: {  	_ =	shalt  }
0x64: {  	_ =	shalt  }
0x65: {  	_ =	shalt  }
0x66: {  	_ =	shalt  }
0x67: {  	_ =	shalt  }
0x68: {  	_ =	shalt  }
0x69: {  	_ =	shalt  }
0x6a: {  	_ =	shalt  }
0x6b: {  	_ =	shalt  }
0x6c: {  	_ =	shalt  }
0x6d: {  	_ =	shalt  }
0x6e: {  	_ =	shalt  }
0x6f: {  	_ =	shalt  }
0x70: {  	_ =	shalt  }
0x71: {  	_ =	shalt  }
0x72: {  	_ =	shalt  }
0x73: {  	_ =	shalt  }
0x74: {  	_ =	shalt  }
0x75: {  	_ =	shalt  }
0x76: {  	_ =	shalt  }
0x77: {  	_ =	shalt  }
0x78: {  	_ =	shalt  }
0x79: {  	_ =	shalt  }
0x7a: {  	_ =	shalt  }
0x7b: {  	_ =	shalt  }
0x7c: {  	_ =	shalt  }
0x7d: {  	_ =	shalt  }
0x7e: {  	_ =	shalt  }
0x7f: {  	_ =	shalt  }
0x80: {  	_ =	shalt  }
0x81: {  	_ =	shalt  }
0x82: {  	_ =	shalt  }
0x83: {  	_ =	shalt  }
0x84: {  	_ =	shalt  }
0x85: {  	_ =	shalt  }
0x86: {  	_ =	shalt  }
0x87: {  	_ =	shalt  }
.Lfunc_end0:
.L_simem_size_0:
called_computation.2_lowered:
.L_overlay_start_0:
0x88: {  	s2 =	sld [smem:$0x3FD9]  }
0x89: {  	s3 =	sld [smem:$0x3FFE];
	_ =	sdelay $0x1  }
0x8a: {  	s1 =	srdreg.scid  }
0x8b: {  	s0 =	sand.u32 $0x1, s1  }
0x8c: {  	s16 =	sshll.u32 s0, $0xA;
	s2 =	sadd.s32 s3, s2  }
0x8d: {  	s2 =	sadd.s32 s2, s16  }
0x8e: {  	[smem:$0x3FBE] =	sst s2  }
0x8f: {  	_ = 	snop  }
0x90: {  	(tm) =	ssettm $0x1  }
0x91: {  	s17 =	sld [smem:$0x3FFB];
	_ =	sdelay $0x3  }
0x92: {  	_ =	strace s17  }
0x93: {  	s2 =	sld [smem:$0x3FFC];
	_ =	sdelay $0x3  }
0x94: {  	_ =	strace s2  }
0x95: {  	s2 =	sld [smem:$0x3FFD];
	_ =	sdelay $0x3  }
0x96: {  	_ =	strace s2  }
0x97: {  	_ =	strace $0x8FFFFFFF  }
0x98: {  	s18 =	sld [smem:$0x3FDB];
	_ =	sdelay $0x1  }
0x99: {  	s19 =	simm.s32 $_scs_section_size  }
0x9a: {  	s4 =	simm.s32 $_size__tile_overlayer_lowered;
	s5 =	simm.s32 $_tile_overlayer_lowered  }
0x9b: {  	s22 =	simm.s32 $0x1BFF;
	s21 =	sshll.u32 s5, $0x1;
	s2 =	sadd.s32 s19, s18  }
0x9c: {  	s6 =	simm.s32 $0x0;
	s20 =	sshll.u32 s4, $0x1;
	s4 =	sadd.s32 s21, s2  }
0x9d: {  	[timem:s6], [sflag:s22] =	dma.local [hbm:s4], s20  }
0x9e: {  	_ =	swait.ge [sflag:s22], s20  }
0x9f: {  	s3 =	ssub.s32 $0x0, s20;
	[sflag:s22] =	ssyncset.done $0x0  }
0xa0: {  	[sflag:s22] =	ssyncadd.s32 s3;
	_ =	sdelay $0x1  }
0xa1: {  	s23 =	simm.s32 $0x1B8B  }
0xa2: {  	_ =	swait.ge [sflag:s23], $0x1  }
0xa3: {  	[sflag:s23] =	ssyncset.done $0x0  }
0xa4: {  	s25 =	simm.s32 $0x1B8E;
	s24 =	sld [smem:$0x3FFE];
	[sflag:s23] =	ssyncadd.s32 $0xFFFFFFFF  }
0xa5: {  	s26 =	simm.s32 $execute0_lowered;
	[smem:$0x3FD2] =	sst s25  }
0xa6: {  	s4 =	sshll.u32 s26, $0x1;
	_ =	strace $0x8000004C;
	[dreg:$0x1] =	wrdreg $0xFFFFFFFF  }
0xa7: {  	s28 =	simm.s32 $_size_execute0_lowered;
	s2 =	sadd.s32 s2, s4;
	[dreg:$0x0] =	wrdreg $0x0  }
0xa8: {  	s4 =	sshll.u32 s28, $0x1;
	[dreg:$0x2] =	wrdreg s2  }
0xa9: {  	[dreg:$0x3] =	wrdreg s4  }
0xaa: {  	[dreg:$0x4] =	wrdreg $0xC0  }
0xab: {  	_ =	task [dreg:s6], $0x5FFFF  }
0xac: {  	[dreg:$0x1] =	wrdreg $0xFFFFFFFF  }
0xad: {  	[dreg:$0x0] =	wrdreg $0x60  }
0xae: {  	[dreg:$0x2] =	wrdreg s24  }
0xaf: {  	[dreg:$0x3] =	wrdreg $0x69000  }
0xb0: {  	[dreg:$0x4] =	wrdreg $0x9  }
0xb1: {  	_ =	task.clear_ibuf [dreg:s6], $0x5FFFF;
	_ =	strace $0x9000004C  }
0xb2: {  	s29 =	simm.s32 $0x9;
	_ =	strace $0x8000004E  }
0xb3: {  	_ =	swait.ge [sflag:s29], $0x1  }
0xb4: {  	[sflag:s29] =	ssyncadd.s32 $0xFFFFFFFF  }
0xb5: {  	_ =	strace $0x9000004E  }
0xb6: {  	_ =	sfence  }
0xb7: {  	s30 =	sld [smem:$0x0];
	_ =	sdelay $0x2  }
0xb8: {  	s31 =	sshll.u32 s1, $0xD;
	s1 =	sshrl.u32 s1, $0x2  }
0xb9: {  	s3 =	sand.u32 $0x4000, s31;
	s1 =	sadd.s32 s1, s30  }
0xba: {  	s0 =	sor.u32 s3, s0;
	s1 =	sshll.u32 s1, $0x11  }
0xbb: {  	s0 =	sor.u32 s1, s0  }
0xbc: {  	s0 =	sadd.s32 $0x8F2B, s0  }
0xbd: {  	[sflag:s0] =	ssyncadd.remote.s32 $0x1  }
0xbe: {  	_ =	sfence.sel $0xFFFF  }
0xbf: {  	[dreg:$0x0] =	wrdreg $0xFFFFFFFF;
	(pc) =	sbr.abs _section_cstart, $3  }
0xc0: {  	[dreg:$0x1] =	wrdreg $0xFFFFFFFF  }
0xc1: {  	_ =	task.clear_ibuf [dreg:s6], $0x2FFFF;
	_ =	strace $0x9FFFFFFF  }
0xc2: {  	(tm) =	ssettm $0x7FFFFFFF  }
0xc3: {  	_ =	shalt  }
tec
execute0_lowered:
.L_overlay_start_1:
0x0: {  	(tag) =	ssettag $0x1  }
0x1: {  	s1 =	srdreg.scid  }
0x2: {  	s0 =	stileid.u32;
	s6 =	rddreg [dreg:$0x0]  }
0x3: {  	s2 =	rddreg [dreg:$0x1];
	s3 =	simm.s32 $0x0;
	s18 =	simm.s32 $0x2900  }
0x4: {  	s19 =	simm.s32 $0x2;
	s20 =	simm.s32 $0x80;
	s4 =	smul.u32 $0x4E20, s0  }
0x5: {  	s21 =	simm.s32 $0x50;
	s22 =	simm.s32 $0x100;
	s8 =	smul.u32 $0x280, s0  }
0x6: {  	s23 =	simm.s32 $0x1;
	s5 =	sand.u32 $0x1, s1;
	s10 =	smul.u32 $0x50000, s0  }
0x7: {  	s24 =	simm.s32 $0x0;
	s1 =	rddreg [dreg:$0x2];
	s7 =	smul.u32 $0x2710, s5  }
0x8: {  	[smem:$0x7FF] =	sst s3;
	s28 =	smul.u32 $0x2800, s5;
	s29 =	ssub.s32 $0x2, s5  }
0x9: {  	_ =	strace $0x8000004D;
	s30 =	sshrl.u32 s10, $0x2;
	s31 =	sshrl.u32 s29, $0x1  }
0xa: {  	s4 =	sadd.s32 s7, s4;
	s7 =	sadd.s32 s8, s28;
	s5 =	sadd.s32 s30, s2  }
0xb: {  	s15 =	ssub.s32 s29, s31;
	s9 =	sshrl.u32 s4, $0x3;
	s4 =	sadd.s32 $0x17400, s6  }
0xc: {  	s7 =	sshll.u32 s7, $0x4;
	s8 =	sadd.s32 $0xC000, s5;
	s15 =	smax.u32 s15, $0x1  }
0xd: {  	s17 =	sadd.s32 s9, s6;
	s14 =	sadd.s32 s7, s6;
	s6 =	sadd.s32 $0x4000, s5  }
0xe: {  	s7 =	sadd.s32 $0x8000, s5;
	s9 =	sadd.s32 $0x10000, s5;
	s10 =	sadd.s32 $0x3E600, s14  }
0xf: {  	s11 =	sadd.s32 $0x3EE00, s14;
	s12 =	sadd.s32 $0x3F600, s14;
	s13 =	sadd.s32 $0x3FE00, s14  }
0x10: {  	v0 =	vimm.f32 $0.0e+00;
	s14 =	sadd.s32 $0x40600, s14;
	s16 =	sadd.s32 $0x3800, s17;
	s17 =	sadd.s32 $0xD600, s17  }
.LBB2_1:
0x11: {  	s25 =	simm.s32 $0x0;
	s26 =	simm.s32 $0x200  }
.LBB2_2:
0x12: {  	p0 =	sne.s32 s26, $0xFE00;
	[tilespmem:s25+$0x2970] =	vst v0  }
0x13: {  	[tilespmem:s25+$0x2900] =	vst v0  }
0x14: {  	[tilespmem:s25+$0x2910] =	vst v0  }
.Ltmp0:
0x15: {  	[tilespmem:s25+$0x2920] =	vst v0;
	(pc) =	sbr.rel @p0 .LBB2_2-.Ltmp0, $4  }
0x16: {  	[tilespmem:s25+$0x2930] =	vst v0  }
0x17: {  	[tilespmem:s25+$0x2940] =	vst v0  }
0x18: {  	[tilespmem:s25+$0x2950] =	vst v0  }
0x19: {  	[tilespmem:s25+$0x2960] =	vst v0;
	s25 =	sshra.s32 s26, $0x2;
	s26 =	sadd.s32 $0x200, s26  }
0x1a: {  	[tilespmem:s25+$0x2970] =	vst v0  }
0x1b: {  	[tilespmem:s25+$0x2900] =	vst v0  }
0x1c: {  	[tilespmem:s25+$0x2910] =	vst v0  }
0x1d: {  	[tilespmem:s25+$0x2920] =	vst v0  }
0x1e: {  	[tilespmem:s25+$0x2930] =	vst v0  }
0x1f: {  	[tilespmem:s25+$0x2940] =	vst v0  }
0x20: {  	[tilespmem:s25+$0x2950] =	vst v0  }
0x21: {  	[tilespmem:s25+$0x2960] =	vst v0  }
0x22: {  	[spmem:s5] =	stream.linear.scatter [tilespmem:s18], [sflag:$0x2], $0x4000, $0x38;
	[tilespmem:$0x1A900] =	vst v63  }
0x23: {  	_ =	swait.ge [sflag:s19], $0x4000  }
0x24: {  	[sflag:s19] =	ssyncset.done $0x0  }
0x25: {  	[sflag:s19] =	ssyncadd.s32 $0xFFFFC000  }
0x26: {  	[spmem:s6] =	stream.linear.scatter [tilespmem:s18], [sflag:$0x2], $0x4000, $0x38;
	[tilespmem:$0x1A900] =	vst v63  }
0x27: {  	_ =	swait.ge [sflag:s19], $0x4000  }
0x28: {  	[sflag:s19] =	ssyncset.done $0x0  }
0x29: {  	[sflag:s19] =	ssyncadd.s32 $0xFFFFC000  }
0x2a: {  	[spmem:s7] =	stream.linear.scatter [tilespmem:s18], [sflag:$0x2], $0x4000, $0x38;
	[tilespmem:$0x1A900] =	vst v63  }
0x2b: {  	_ =	swait.ge [sflag:s19], $0x4000  }
0x2c: {  	[sflag:s19] =	ssyncset.done $0x0  }
0x2d: {  	[sflag:s19] =	ssyncadd.s32 $0xFFFFC000  }
0x2e: {  	[spmem:s8] =	stream.linear.scatter [tilespmem:s18], [sflag:$0x2], $0x4000, $0x38;
	[tilespmem:$0x1A900] =	vst v63  }
0x2f: {  	_ =	swait.ge [sflag:s19], $0x4000  }
0x30: {  	[sflag:s19] =	ssyncset.done $0x0  }
0x31: {  	[sflag:s19] =	ssyncadd.s32 $0xFFFFC000  }
0x32: {  	[spmem:s9] =	stream.linear.scatter [tilespmem:s18], [sflag:$0x2], $0x4000, $0x38;
	[tilespmem:$0x1A900] =	vst v63  }
0x33: {  	_ =	swait.ge [sflag:s19], $0x4000  }
0x34: {  	[sflag:s19] =	ssyncset.done $0x0  }
0x35: {  	[sflag:s19] =	ssyncadd.s32 $0xFFFFC000  }
0x36: {  	s30 =	sadd.s32 $0x0, s17;
	[bflag:$0x0] =	sbarrier.arrive $0xFFFF  }
0x37: {  	[tilespmem:s3], [sflag:$0x2] =	stream.linear.gather [hbm4b:s30+s3], $0x50, $0x38;
	[tilespmem:$0x1A900] =	vst v63  }
0x38: {  	_ =	swait.ge [sflag:s19], $0x50  }
0x39: {  	[sflag:s19] =	ssyncset.done $0x0  }
0x3a: {  	s31 =	sadd.s32 $0x0, s16;
	[sflag:s19] =	ssyncadd.s32 $0xFFFFFFB0  }
0x3b: {  	[tilespmem:s20], [sflag:$0x2] =	stream.linear.gather [hbm4b:s31+s3], $0x50, $0x38;
	[tilespmem:$0x1A900] =	vst v63  }
0x3c: {  	_ =	swait.ge [sflag:s19], $0x50  }
0x3d: {  	[sflag:s19] =	ssyncset.done $0x0  }
0x3e: {  	[sflag:s19] =	ssyncadd.s32 $0xFFFFFFB0  }
0x3f: {  	[tilespmem:s22], [sflag:$0x1] =	stream.indirect.gather [hbm4b:s4+s21], $0x80, s3, s21, $0xb8;
	[tilespmem:$0x1A900] =	vst v63  }
0x40: {  	_ =	swait.ge [sflag:s23], $0x2800  }
0x41: {  	[sflag:s23] =	ssyncset.done $0x0  }
0x42: {  	[sflag:s23] =	ssyncadd.s32 $0xFFFFD800  }
0x43: {  	[spmem:s2] =	stream.indirect.scatter.add.f32 [tilespmem:s22], [sflag:$0x2], $0x80, s20, s21, $0xb8;
	[tilespmem:$0x1A900] =	vst v63  }
0x44: {  	_ =	swait.ge [sflag:s19], $0x2800  }
0x45: {  	s25 =	simm.s32 $0xA;
	s26 =	simm.s32 $0x14;
	[sflag:s19] =	ssyncset.done $0x0  }
.LBB2_4:
0x46: {  	s28 =	sadd.s32 s25, s17  }
0x47: {  	[sflag:s19] =	ssyncadd.s32 $0xFFFFD800;
	s29 =	smov.u32 s26;
	s30 =	sadd.s32 $0xA, s26  }
0x48: {  	[tilespmem:s3], [sflag:$0x2] =	stream.linear.gather [hbm4b:s28+s3], $0x50, $0x38;
	[tilespmem:$0x1A900] =	vst v63  }
0x49: {  	p0 =	sne.s32 s26, $0x4D8;
	_ =	swait.ge [sflag:s19], $0x50  }
0x4a: {  	[sflag:s19] =	ssyncset.done $0x0  }
0x4b: {  	s26 =	sadd.s32 s25, s16;
	s25 =	smov.u32 s29;
	[sflag:s19] =	ssyncadd.s32 $0xFFFFFFB0  }
0x4c: {  	[tilespmem:s20], [sflag:$0x2] =	stream.linear.gather [hbm4b:s26+s3], $0x50, $0x38;
	[tilespmem:$0x1A900] =	vst v63  }
0x4d: {  	_ =	swait.ge [sflag:s19], $0x50  }
0x4e: {  	[sflag:s19] =	ssyncset.done $0x0  }
0x4f: {  	[sflag:s19] =	ssyncadd.s32 $0xFFFFFFB0  }
0x50: {  	[tilespmem:s22], [sflag:$0x1] =	stream.indirect.gather [hbm4b:s4+s21], $0x80, s3, s21, $0xb8;
	[tilespmem:$0x1A900] =	vst v63  }
0x51: {  	_ =	swait.ge [sflag:s23], $0x2800  }
.Ltmp1:
0x52: {  	[sflag:s23] =	ssyncset.done $0x0;
	(pc) =	sbr.rel @p0 .LBB2_4-.Ltmp1, $4  }
0x53: {  	[sflag:s23] =	ssyncadd.s32 $0xFFFFD800  }
0x54: {  	[spmem:s2] =	stream.indirect.scatter.add.f32 [tilespmem:s22], [sflag:$0x2], $0x80, s20, s21, $0xb8;
	[tilespmem:$0x1A900] =	vst v63  }
0x55: {  	_ =	swait.ge [sflag:s19], $0x2800  }
0x56: {  	s26 =	smov.u32 s30;
	[sflag:s19] =	ssyncset.done $0x0  }
0x57: {  	s26 =	sadd.s32 s25, s17;
	[sflag:s19] =	ssyncadd.s32 $0xFFFFD800  }
0x58: {  	[tilespmem:s3], [sflag:$0x2] =	stream.linear.gather [hbm4b:s26+s3], $0x50, $0x38;
	[tilespmem:$0x1A900] =	vst v63  }
0x59: {  	_ =	swait.ge [sflag:s19], $0x50  }
0x5a: {  	[sflag:s19] =	ssyncset.done $0x0  }
0x5b: {  	s29 =	sadd.s32 s25, s16;
	[sflag:s19] =	ssyncadd.s32 $0xFFFFFFB0  }
0x5c: {  	[tilespmem:s20], [sflag:$0x2] =	stream.linear.gather [hbm4b:s29+s3], $0x50, $0x38;
	[tilespmem:$0x1A900] =	vst v63  }
0x5d: {  	_ =	swait.ge [sflag:s19], $0x50  }
0x5e: {  	[sflag:s19] =	ssyncset.done $0x0  }
0x5f: {  	[sflag:s19] =	ssyncadd.s32 $0xFFFFFFB0  }
0x60: {  	[tilespmem:s22], [sflag:$0x1] =	stream.indirect.gather [hbm4b:s4+s21], $0x80, s3, s21, $0xb8;
	[tilespmem:$0x1A900] =	vst v63  }
0x61: {  	_ =	swait.ge [sflag:s23], $0x2800  }
0x62: {  	[sflag:s23] =	ssyncset.done $0x0  }
0x63: {  	[sflag:s23] =	ssyncadd.s32 $0xFFFFD800  }
0x64: {  	[spmem:s2] =	stream.indirect.scatter.add.f32 [tilespmem:s22], [sflag:$0x2], $0x80, s20, s21, $0xb8;
	[tilespmem:$0x1A900] =	vst v63  }
0x65: {  	_ =	swait.ge [sflag:s19], $0x2800  }
0x66: {  	[sflag:s19] =	ssyncset.done $0x0  }
0x67: {  	s30 =	sshll.u32 s0, $0x6;
	[sflag:s19] =	ssyncadd.s32 $0xFFFFD800  }
0x68: {  	s31 =	sshrl.u32 s5, $0x3;
	s25 =	sor.u32 $0x1C02, s30;
	[bflag:$0x0] =	sbarrier.arrive $0xFFFF  }
0x69: {  	[hbm:s10], [sflag:s25] =	dma.local [spmem:s31], $0x800  }
0x6a: {  	_ =	swait.ge [sflag:s19], $0x800  }
0x6b: {  	[sflag:s19] =	ssyncset.done $0x0  }
0x6c: {  	s28 =	sshrl.u32 s6, $0x3;
	[sflag:s19] =	ssyncadd.s32 $0xFFFFF800  }
0x6d: {  	[hbm:s11], [sflag:s25] =	dma.local [spmem:s28], $0x800  }
0x6e: {  	_ =	swait.ge [sflag:s19], $0x800  }
0x6f: {  	[sflag:s19] =	ssyncset.done $0x0  }
0x70: {  	s29 =	sshrl.u32 s7, $0x3;
	[sflag:s19] =	ssyncadd.s32 $0xFFFFF800  }
0x71: {  	[hbm:s12], [sflag:s25] =	dma.local [spmem:s29], $0x800  }
0x72: {  	_ =	swait.ge [sflag:s19], $0x800  }
0x73: {  	[sflag:s19] =	ssyncset.done $0x0  }
0x74: {  	s30 =	sshrl.u32 s8, $0x3;
	[sflag:s19] =	ssyncadd.s32 $0xFFFFF800  }
0x75: {  	[hbm:s13], [sflag:s25] =	dma.local [spmem:s30], $0x800  }
0x76: {  	s24 =	sadd.s32 $0x1, s24;
	_ =	swait.ge [sflag:s19], $0x800  }
0x77: {  	p0 =	sne.s32 s24, s15;
	[sflag:s19] =	ssyncset.done $0x0  }
.Ltmp2:
0x78: {  	s31 =	sshrl.u32 s9, $0x3;
	[sflag:s19] =	ssyncadd.s32 $0xFFFFF800;
	(pc) =	sbr.rel @p0 .LBB2_1-.Ltmp2, $4  }
0x79: {  	[hbm:s14], [sflag:s25] =	dma.local [spmem:s31], $0x800  }
0x7a: {  	_ =	swait.ge [sflag:s19], $0x800  }
0x7b: {  	[sflag:s19] =	ssyncset.done $0x0  }
0x7c: {  	[sflag:s19] =	ssyncadd.s32 $0xFFFFF800  }
0x7d: {  	_ =	sfence.sel $0x180000  }
0x7e: {  	[bflag:$0x0] =	sbarrier.arrive $0xFFFF  }
0x7f: {  	p0 =	sne.s32 s0, $0x0;
	_ =	strace $0x9000004D  }
0x80: {  	s0 =	sadd.s32 @!p0 $0x100000, s1;
	[bflag:$0x2] =	sbarrier.arrive $0xFFFF  }
0x81: {  	[sflag:s0] =	ssyncadd.tile.s32 @!p0 $0x1;
	_ =	shalt  }
.Lfunc_end2:
_tile_overlayer_lowered:
.L_overlay_start_2:
0x82: {  	(tag) =	ssettag $0x2  }
0x83: {  	s0 =	rddreg [dreg:$0x0];
	s2 =	stileid.u32  }
0x84: {  	s1 =	rddreg [dreg:$0x1];
	p0 =	sne.s32 s2, $0x0  }
0x85: {  	s3 =	rddreg [dreg:$0x2];
	[bflag:$0x3] =	sbarrier.arrive $0xFFFF;
	s2 =	simm.s32 @!p0 $0x1C02  }
0x86: {  	[timem:s3], [sflag:s2] =	dma.local @!p0 [hbm:s0], s1  }
0x87: {  	s0 =	simm.s32 @!p0 $0x2  }
0x88: {  	_ =	swait.ge @!p0 [sflag:s0], s1  }
0x89: {  	s1 =	ssub.s32 @!p0 $0x0, s1;
	[sflag:s0] =	ssyncset.done @!p0 $0x0  }
0x8a: {  	[sflag:s0] =	ssyncadd.s32 @!p0 s1  }
0x8b: {  	[bflag:$0x3] =	sbarrier.arrive $0xFFFF  }
0x8c: {  	_ =	shalt  }

// kernel: kernel.8.cloned.1.call-start
scs
__scs_entry_jumppad:
0x0: {  	(pc) =	sbr.rel $0x88, $3  }
0x1: {  	(tag) =	ssettag $0x0;
	lr =	simm.s32 $0x1  }
0x2: {  	[smem:$0x3F97] =	sst lr;
	_ =	strace $0xD0000000  }
0x3: {  	_ = 	snop  }
0x4: {  	_ = 	snop  }
0x5: {  	_ = 	snop  }
0x6: {  	_ = 	snop  }
0x7: {  	_ = 	snop  }
__scs_overlays_trampoline_lowered:
0x8: {  	[smem:$0x3FA6] =	sst s0  }
0x9: {  	[smem:$0x3FA7] =	sst s1  }
0xa: {  	[smem:$0x3FA8] =	sst s2  }
0xb: {  	[smem:$0x3FA9] =	sst s3  }
0xc: {  	[smem:$0x3FAA] =	sst s4  }
0xd: {  	[smem:$0x3FAB] =	sst s5  }
0xe: {  	[smem:$0x3FAC] =	sst s6  }
0xf: {  	[smem:$0x3FAD] =	sst s7  }
0x10: {  	[smem:$0x3FAE] =	sst s8  }
0x11: {  	[smem:$0x3FAF] =	sst s9;
	s0 =	simm.s32 @!p0 $0x0  }
0x12: {  	s1 =	sld [smem:$0x3F95];
	s0 =	simm.s32 @p0 $0x1  }
0x13: {  	[smem:$0x3FB0] =	sst s0;
	s0 =	simm.s32 @!p1 $0x0  }
0x14: {  	s2 =	sld [smem:$0x3F94];
	s0 =	simm.s32 @p1 $0x1  }
0x15: {  	[smem:$0x3FB1] =	sst s0;
	s0 =	simm.s32 @!p2 $0x0  }
0x16: {  	s3 =	sld [smem:$0x3FDB];
	s0 =	simm.s32 @p2 $0x1  }
0x17: {  	s4 =	simm.s32 $0x1BF5;
	[smem:$0x3FB3] =	sst s0  }
0x18: {  	s0 =	sld [smem:$0x3F96];
	_ =	swait.ge [sflag:s4], $0x0  }
0x19: {  	s7 =	sld [smem:$0x3F97]  }
0x1a: {  	s8 =	sadd.s32 $0xFFFFE003, lr  }
0x1b: {  	s9 =	sadd.s32 $0xFFFFFEF7, lr;
	s5 =	simm.s32 $0xFFFFFFFF;
	p2 =	slt.u32 s8, $0xFFFFF086  }
0x1c: {  	p1 =	slt.u32 s9, $0xF7A;
	s5 =	simm.s32 @!p2 $0x0  }
0x1d: {  	s5 =	simm.s32 @p1 $0x1;
	p0 =	seq.s32 s7, s2  }
0x1e: {  	s7 =	smul.u32 @!p0 $0xF7A, s2;
	p2 =	seq.s32 @!p0 s5, $0x0  }
0x1f: {  	s9 =	smul.u32 $0xF7A, s1;
	s8 =	simm.s32 @!p0 $0x1BF5;
	p2 =	por !p2, p0  }
0x20: {  	[sflag:s8] =	ssyncset.s32 @!p0 $0xFFFFF086;
	s6 =	sadd.s32 @!p0 s3, s7;
	s7 =	simm.s32 @!p0 $0x108  }
0x21: {  	s3 =	sadd.s32 s3, s9;
	s6 =	sadd.s32 @!p0 $0x88, s6;
	s7 =	simm.s32 @p2 $0x1082  }
0x22: {  	[simem:s7], [sflag:s8] =	dma.local @!p0 [hbm:s6], $0xF7A  }
0x23: {  	s9 =	sor.u32 $0xD0000000, s2;
	s6 =	simm.s32 $0x108;
	_ =	swait.ge @!p0 [sflag:s8], $0x0  }
0x24: {  	s3 =	sadd.s32 $0x88, s3;
	s6 =	simm.s32 @!p1 $0x1082;
	[sflag:s4] =	ssyncset.s32 $0xFFFFF086  }
0x25: {  	[simem:s6], [sflag:s4] =	dma.local [hbm:s3], $0xF7A  }
0x26: {  	[smem:$0x3F97] =	sst s1;
	(tag) =	ssettag s2;
	_ =	strace s9  }
0x27: {  	s1 =	sld [smem:$0x3FA7]  }
0x28: {  	s2 =	sld [smem:$0x3FA8]  }
0x29: {  	s4 =	sld [smem:$0x3FAA]  }
0x2a: {  	p0 =	seq.s32 s5, $0x0;
	s5 =	sld [smem:$0x3FAB]  }
0x2b: {  	s6 =	sld [smem:$0x3FAC]  }
0x2c: {  	s7 =	sld [smem:$0x3FAD]  }
0x2d: {  	s3 =	simm.s32 $0x108;
	s8 =	sld [smem:$0x3FAE]  }
0x2e: {  	s3 =	simm.s32 @!p0 $0x1082;
	s9 =	sld [smem:$0x3FAF]  }
0x2f: {  	lr =	sadd.s32 s0, s3;
	s0 =	sld [smem:$0x3FA6]  }
0x30: {  	s3 =	sld [smem:$0x3FA9]  }
0x31: {  	[smem:$0x3FB2] =	sst s10  }
0x32: {  	s10 =	sld [smem:$0x3FB0];
	_ =	sdelay $0x3  }
0x33: {  	p0 =	seq.s32 s10, $0x1;
	s10 =	sld [smem:$0x3FB2];
	_ =	sdelay $0x3  }
0x34: {  	[smem:$0x3FB2] =	sst s10  }
0x35: {  	s10 =	sld [smem:$0x3FB1];
	_ =	sdelay $0x3  }
0x36: {  	p1 =	seq.s32 s10, $0x1;
	s10 =	sld [smem:$0x3FB2];
	_ =	sdelay $0x3  }
0x37: {  	[smem:$0x3FB2] =	sst s10  }
0x38: {  	s10 =	sld [smem:$0x3FB3]  }
0x39: {  	_ = 	snop;
	(pc) =	sbr.ind lr, $3  }
0x3a: {  	_ = 	snop  }
0x3b: {  	_ = 	snop  }
0x3c: {  	p2 =	seq.s32 s10, $0x1;
	s10 =	sld [smem:$0x3FB2]  }
0x3d: {  	_ =	shalt  }
0x3e: {  	_ =	shalt  }
0x3f: {  	_ =	shalt  }
0x40: {  	_ =	shalt  }
0x41: {  	_ =	shalt  }
0x42: {  	_ =	shalt  }
0x43: {  	_ =	shalt  }
0x44: {  	_ =	shalt  }
0x45: {  	_ =	shalt  }
0x46: {  	_ =	shalt  }
0x47: {  	_ =	shalt  }
0x48: {  	_ =	shalt  }
0x49: {  	_ =	shalt  }
0x4a: {  	_ =	shalt  }
0x4b: {  	_ =	shalt  }
0x4c: {  	_ =	shalt  }
0x4d: {  	_ =	shalt  }
0x4e: {  	_ =	shalt  }
0x4f: {  	_ =	shalt  }
0x50: {  	_ =	shalt  }
0x51: {  	_ =	shalt  }
0x52: {  	_ =	shalt  }
0x53: {  	_ =	shalt  }
0x54: {  	_ =	shalt  }
0x55: {  	_ =	shalt  }
0x56: {  	_ =	shalt  }
0x57: {  	_ =	shalt  }
0x58: {  	_ =	shalt  }
0x59: {  	_ =	shalt  }
0x5a: {  	_ =	shalt  }
0x5b: {  	_ =	shalt  }
0x5c: {  	_ =	shalt  }
0x5d: {  	_ =	shalt  }
0x5e: {  	_ =	shalt  }
0x5f: {  	_ =	shalt  }
0x60: {  	_ =	shalt  }
0x61: {  	_ =	shalt  }
0x62: {  	_ =	shalt  }
0x63: {  	_ =	shalt  }
0x64: {  	_ =	shalt  }
0x65: {  	_ =	shalt  }
0x66: {  	_ =	shalt  }
0x67: {  	_ =	shalt  }
0x68: {  	_ =	shalt  }
0x69: {  	_ =	shalt  }
0x6a: {  	_ =	shalt  }
0x6b: {  	_ =	shalt  }
0x6c: {  	_ =	shalt  }
0x6d: {  	_ =	shalt  }
0x6e: {  	_ =	shalt  }
0x6f: {  	_ =	shalt  }
0x70: {  	_ =	shalt  }
0x71: {  	_ =	shalt  }
0x72: {  	_ =	shalt  }
0x73: {  	_ =	shalt  }
0x74: {  	_ =	shalt  }
0x75: {  	_ =	shalt  }
0x76: {  	_ =	shalt  }
0x77: {  	_ =	shalt  }
0x78: {  	_ =	shalt  }
0x79: {  	_ =	shalt  }
0x7a: {  	_ =	shalt  }
0x7b: {  	_ =	shalt  }
0x7c: {  	_ =	shalt  }
0x7d: {  	_ =	shalt  }
0x7e: {  	_ =	shalt  }
0x7f: {  	_ =	shalt  }
0x80: {  	_ =	shalt  }
0x81: {  	_ =	shalt  }
0x82: {  	_ =	shalt  }
0x83: {  	_ =	shalt  }
0x84: {  	_ =	shalt  }
0x85: {  	_ =	shalt  }
0x86: {  	_ =	shalt  }
0x87: {  	_ =	shalt  }
.Lfunc_end0:
.L_simem_size_0:
called_computation_lowered:
.L_overlay_start_0:
0x88: {  	s2 =	sld [smem:$0x3FD9]  }
0x89: {  	s3 =	sld [smem:$0x3FFE];
	_ =	sdelay $0x1  }
0x8a: {  	s1 =	srdreg.scid  }
0x8b: {  	s0 =	sand.u32 $0x1, s1  }
0x8c: {  	s16 =	sshll.u32 s0, $0xA;
	s2 =	sadd.s32 s3, s2  }
0x8d: {  	s2 =	sadd.s32 s2, s16  }
0x8e: {  	[smem:$0x3FBE] =	sst s2  }
0x8f: {  	_ = 	snop  }
0x90: {  	(tm) =	ssettm $0x1  }
0x91: {  	s17 =	sld [smem:$0x3FFB];
	_ =	sdelay $0x3  }
0x92: {  	_ =	strace s17  }
0x93: {  	s2 =	sld [smem:$0x3FFC];
	_ =	sdelay $0x3  }
0x94: {  	_ =	strace s2  }
0x95: {  	s2 =	sld [smem:$0x3FFD];
	_ =	sdelay $0x3  }
0x96: {  	_ =	strace s2  }
0x97: {  	_ =	strace $0x8FFFFFFF  }
0x98: {  	s18 =	sld [smem:$0x3FDB];
	_ =	sdelay $0x1  }
0x99: {  	s19 =	simm.s32 $_scs_section_size  }
0x9a: {  	s4 =	simm.s32 $_size__tile_overlayer_lowered;
	s5 =	simm.s32 $_tile_overlayer_lowered  }
0x9b: {  	s22 =	simm.s32 $0x1BFF;
	s21 =	sshll.u32 s5, $0x1;
	s2 =	sadd.s32 s19, s18  }
0x9c: {  	s6 =	simm.s32 $0x0;
	s20 =	sshll.u32 s4, $0x1;
	s4 =	sadd.s32 s21, s2  }
0x9d: {  	[timem:s6], [sflag:s22] =	dma.local [hbm:s4], s20  }
0x9e: {  	_ =	swait.ge [sflag:s22], s20  }
0x9f: {  	s3 =	ssub.s32 $0x0, s20;
	[sflag:s22] =	ssyncset.done $0x0  }
0xa0: {  	[sflag:s22] =	ssyncadd.s32 s3;
	_ =	sdelay $0x1  }
0xa1: {  	s23 =	simm.s32 $0x1B8B  }
0xa2: {  	_ =	swait.ge [sflag:s23], $0x1  }
0xa3: {  	[sflag:s23] =	ssyncset.done $0x0  }
0xa4: {  	s25 =	simm.s32 $0x1B8E;
	s24 =	sld [smem:$0x3FFE];
	[sflag:s23] =	ssyncadd.s32 $0xFFFFFFFF  }
0xa5: {  	s26 =	simm.s32 $execute0_lowered;
	[smem:$0x3FD2] =	sst s25  }
0xa6: {  	s4 =	sshll.u32 s26, $0x1;
	_ =	strace $0x80000046;
	[dreg:$0x1] =	wrdreg $0xFFFFFFFF  }
0xa7: {  	s28 =	simm.s32 $_size_execute0_lowered;
	s2 =	sadd.s32 s2, s4;
	[dreg:$0x0] =	wrdreg $0x0  }
0xa8: {  	s4 =	sshll.u32 s28, $0x1;
	[dreg:$0x2] =	wrdreg s2  }
0xa9: {  	[dreg:$0x3] =	wrdreg s4  }
0xaa: {  	[dreg:$0x4] =	wrdreg $0xC0  }
0xab: {  	_ =	task [dreg:s6], $0x5FFFF  }
0xac: {  	[dreg:$0x1] =	wrdreg $0xFFFFFFFF  }
0xad: {  	[dreg:$0x0] =	wrdreg $0x60  }
0xae: {  	[dreg:$0x2] =	wrdreg s24  }
0xaf: {  	[dreg:$0x3] =	wrdreg $0x4000  }
0xb0: {  	[dreg:$0x4] =	wrdreg $0x6800  }
0xb1: {  	[dreg:$0x5] =	wrdreg $0x9  }
0xb2: {  	_ =	task.clear_ibuf [dreg:s6], $0x6FFFF;
	_ =	strace $0x90000046  }
0xb3: {  	s29 =	simm.s32 $0x9;
	_ =	strace $0x80000048  }
0xb4: {  	_ =	swait.ge [sflag:s29], $0x1  }
0xb5: {  	[sflag:s29] =	ssyncadd.s32 $0xFFFFFFFF  }
0xb6: {  	_ =	strace $0x90000048  }
0xb7: {  	_ =	sfence  }
0xb8: {  	s30 =	sld [smem:$0x0];
	_ =	sdelay $0x2  }
0xb9: {  	s31 =	sshll.u32 s1, $0xD;
	s1 =	sshrl.u32 s1, $0x2  }
0xba: {  	s3 =	sand.u32 $0x4000, s31;
	s1 =	sadd.s32 s1, s30  }
0xbb: {  	s0 =	sor.u32 s3, s0;
	s1 =	sshll.u32 s1, $0x11  }
0xbc: {  	s0 =	sor.u32 s1, s0  }
0xbd: {  	s0 =	sadd.s32 $0x8F2B, s0  }
0xbe: {  	[sflag:s0] =	ssyncadd.remote.s32 $0x1  }
0xbf: {  	_ =	sfence.sel $0xFFFF  }
0xc0: {  	[dreg:$0x0] =	wrdreg $0xFFFFFFFF;
	(pc) =	sbr.abs _section_cstart, $3  }
0xc1: {  	[dreg:$0x1] =	wrdreg $0xFFFFFFFF  }
0xc2: {  	_ =	task.clear_ibuf [dreg:s6], $0x2FFFF;
	_ =	strace $0x9FFFFFFF  }
0xc3: {  	(tm) =	ssettm $0x7FFFFFFF  }
tec
execute0_lowered:
.L_overlay_start_1:
0x0: {  	(tag) =	ssettag $0x1  }
0x1: {  	s1 =	srdreg.scid;
	s5 =	rddreg [dreg:$0x0]  }
0x2: {  	s0 =	stileid.u32;
	s2 =	rddreg [dreg:$0x1]  }
0x3: {  	s3 =	rddreg [dreg:$0x2];
	s4 =	simm.s32 $0x0;
	s12 =	simm.s32 $0x180  }
0x4: {  	s13 =	simm.s32 $0x1;
	s14 =	simm.s32 $0x80;
	s15 =	simm.s32 $0x50  }
0x5: {  	s16 =	simm.s32 $0x100;
	s20 =	simm.s32 $0x0;
	s7 =	smul.u32 $0x4E20, s0  }
0x6: {  	s6 =	sand.u32 $0x1, s1;
	s9 =	smul.u32 $0x280, s0;
	s1 =	rddreg [dreg:$0x3]  }
0x7: {  	[smem:$0x7FF] =	sst s4;
	s17 =	sshll.u32 s0, $0x6;
	s8 =	smul.u32 $0x2710, s6  }
0x8: {  	s10 =	smul.u32 $0x2800, s6;
	_ =	strace $0x80000047;
	s6 =	ssub.s32 $0x2, s6  }
0x9: {  	s17 =	sor.u32 $0x1C01, s17;
	s30 =	sshrl.u32 s6, $0x1;
	s7 =	sadd.s32 s8, s7  }
0xa: {  	s29 =	sadd.s32 s9, s10;
	s31 =	ssub.s32 s6, s30;
	s6 =	sadd.s32 s9, s3  }
0xb: {  	s7 =	sshrl.u32 s7, $0x3;
	s8 =	sshrl.u32 s29, $0x3;
	s19 =	sshrl.u32 s6, $0x3  }
0xc: {  	s11 =	sadd.s32 s7, s5;
	s8 =	sadd.s32 s8, s5;
	s5 =	sadd.s32 s9, s2  }
0xd: {  	s9 =	smax.u32 s31, $0x1;
	s7 =	sadd.s32 $0x17400, s8;
	s8 =	sadd.s32 $0x17E00, s8  }
0xe: {  	v0 =	vimm.f32 $0.0e+00;
	v1 =	vimm.f32 $1.000000000e+00;
	s10 =	sadd.s32 $0x3800, s11;
	s11 =	sadd.s32 $0xD600, s11;
	s18 =	sshrl.u32 s5, $0x3  }
.LBB2_1:
0xf: {  	[tilespmem:$0x180] =	vst v0  }
0x10: {  	[tilespmem:$0x190] =	vst v0  }
0x11: {  	[tilespmem:$0x1A0] =	vst v0  }
0x12: {  	[tilespmem:$0x1B0] =	vst v0  }
0x13: {  	[tilespmem:$0x1C0] =	vst v0  }
0x14: {  	[tilespmem:$0x1D0] =	vst v0  }
0x15: {  	[tilespmem:$0x1E0] =	vst v0  }
0x16: {  	[tilespmem:$0x1F0] =	vst v0  }
0x17: {  	[tilespmem:$0x200] =	vst v0  }
0x18: {  	[tilespmem:$0x210] =	vst v0  }
0x19: {  	[tilespmem:$0x220] =	vst v0  }
0x1a: {  	[tilespmem:$0x230] =	vst v0  }
0x1b: {  	[tilespmem:$0x240] =	vst v0  }
0x1c: {  	[tilespmem:$0x250] =	vst v0  }
0x1d: {  	[tilespmem:$0x260] =	vst v0  }
0x1e: {  	[tilespmem:$0x270] =	vst v0  }
0x1f: {  	[tilespmem:$0x280] =	vst v0  }
0x20: {  	[tilespmem:$0x290] =	vst v0  }
0x21: {  	[tilespmem:$0x2A0] =	vst v0  }
0x22: {  	[tilespmem:$0x2B0] =	vst v0  }
0x23: {  	[tilespmem:$0x2C0] =	vst v0  }
0x24: {  	[tilespmem:$0x2D0] =	vst v0  }
0x25: {  	[tilespmem:$0x2E0] =	vst v0  }
0x26: {  	[tilespmem:$0x2F0] =	vst v0  }
0x27: {  	[tilespmem:$0x300] =	vst v0  }
0x28: {  	[tilespmem:$0x310] =	vst v0  }
0x29: {  	[tilespmem:$0x320] =	vst v0  }
0x2a: {  	[tilespmem:$0x330] =	vst v0  }
0x2b: {  	[tilespmem:$0x340] =	vst v0  }
0x2c: {  	[tilespmem:$0x350] =	vst v0  }
0x2d: {  	[tilespmem:$0x360] =	vst v0  }
0x2e: {  	[tilespmem:$0x370] =	vst v0  }
0x2f: {  	[tilespmem:$0x380] =	vst v0  }
0x30: {  	[tilespmem:$0x390] =	vst v0  }
0x31: {  	[tilespmem:$0x3A0] =	vst v0  }
0x32: {  	[tilespmem:$0x3B0] =	vst v0  }
0x33: {  	[tilespmem:$0x3C0] =	vst v0  }
0x34: {  	[tilespmem:$0x3D0] =	vst v0  }
0x35: {  	[tilespmem:$0x3E0] =	vst v0  }
0x36: {  	[tilespmem:$0x3F0] =	vst v0  }
0x37: {  	[tilespmem:$0x100] =	vst v1  }
0x38: {  	[tilespmem:$0x110] =	vst v1  }
0x39: {  	[tilespmem:$0x120] =	vst v1  }
0x3a: {  	[tilespmem:$0x130] =	vst v1  }
0x3b: {  	[tilespmem:$0x140] =	vst v1  }
0x3c: {  	[spmem:s5] =	stream.linear.scatter [tilespmem:s12], [sflag:$0x1], $0x280, $0x38;
	[tilespmem:$0x900] =	vst v63  }
0x3d: {  	_ =	swait.ge [sflag:s13], $0x280  }
0x3e: {  	[sflag:s13] =	ssyncset.done $0x0  }
0x3f: {  	[sflag:s13] =	ssyncadd.s32 $0xFFFFFD80  }
0x40: {  	[spmem:s6] =	stream.linear.scatter [tilespmem:s12], [sflag:$0x1], $0x280, $0x38;
	[tilespmem:$0x900] =	vst v63  }
0x41: {  	_ =	swait.ge [sflag:s13], $0x280  }
0x42: {  	[sflag:s13] =	ssyncset.done $0x0  }
0x43: {  	[sflag:s13] =	ssyncadd.s32 $0xFFFFFD80  }
0x44: {  	s21 =	sadd.s32 $0x0, s11;
	[bflag:$0x0] =	sbarrier.arrive $0xFFFF  }
0x45: {  	[tilespmem:s4], [sflag:$0x1] =	stream.linear.gather [hbm4b:s21+s4], $0x50, $0x38;
	[tilespmem:$0x900] =	vst v63  }
0x46: {  	_ =	swait.ge [sflag:s13], $0x50  }
0x47: {  	[sflag:s13] =	ssyncset.done $0x0  }
0x48: {  	s31 =	sadd.s32 $0x0, s10;
	[sflag:s13] =	ssyncadd.s32 $0xFFFFFFB0  }
0x49: {  	[tilespmem:s14], [sflag:$0x1] =	stream.linear.gather [hbm4b:s31+s4], $0x50, $0x38;
	[tilespmem:$0x900] =	vst v63  }
0x4a: {  	_ =	swait.ge [sflag:s13], $0x50  }
0x4b: {  	[sflag:s13] =	ssyncset.done $0x0  }
0x4c: {  	[sflag:s13] =	ssyncadd.s32 $0xFFFFFFB0  }
0x4d: {  	[spmem:s2] =	stream.indirect.scatter.add.f32 [tilespmem:s16], [sflag:$0x1], $0x1, s4, s15, $0xb8;
	[tilespmem:$0x900] =	vst v63  }
0x4e: {  	_ =	swait.ge [sflag:s13], $0x50  }
0x4f: {  	[sflag:s13] =	ssyncset.done $0x0  }
0x50: {  	[sflag:s13] =	ssyncadd.s32 $0xFFFFFFB0  }
0x51: {  	[spmem:s3] =	stream.indirect.scatter.add.f32 [tilespmem:s16], [sflag:$0x1], $0x1, s14, s15, $0xb8;
	[tilespmem:$0x900] =	vst v63  }
0x52: {  	_ =	swait.ge [sflag:s13], $0x50  }
0x53: {  	s22 =	simm.s32 $0x14;
	s21 =	simm.s32 $0xA;
	[sflag:s13] =	ssyncset.done $0x0  }
.LBB2_2:
0x54: {  	s23 =	sadd.s32 s21, s11  }
0x55: {  	[sflag:s13] =	ssyncadd.s32 $0xFFFFFFB0;
	s24 =	smov.u32 s22;
	s25 =	sadd.s32 $0xA, s22  }
0x56: {  	[tilespmem:s4], [sflag:$0x1] =	stream.linear.gather [hbm4b:s23+s4], $0x50, $0x38;
	[tilespmem:$0x900] =	vst v63  }
0x57: {  	p0 =	sne.s32 s22, $0x4D8;
	_ =	swait.ge [sflag:s13], $0x50  }
0x58: {  	[sflag:s13] =	ssyncset.done $0x0  }
0x59: {  	s22 =	sadd.s32 s21, s10;
	s21 =	smov.u32 s24;
	[sflag:s13] =	ssyncadd.s32 $0xFFFFFFB0  }
0x5a: {  	[tilespmem:s14], [sflag:$0x1] =	stream.linear.gather [hbm4b:s22+s4], $0x50, $0x38;
	[tilespmem:$0x900] =	vst v63  }
0x5b: {  	_ =	swait.ge [sflag:s13], $0x50  }
0x5c: {  	[sflag:s13] =	ssyncset.done $0x0  }
0x5d: {  	[sflag:s13] =	ssyncadd.s32 $0xFFFFFFB0  }
0x5e: {  	[spmem:s2] =	stream.indirect.scatter.add.f32 [tilespmem:s16], [sflag:$0x1], $0x1, s4, s15, $0xb8;
	[tilespmem:$0x900] =	vst v63  }
0x5f: {  	_ =	swait.ge [sflag:s13], $0x50  }
.Ltmp0:
0x60: {  	[sflag:s13] =	ssyncset.done $0x0;
	(pc) =	sbr.rel @p0 .LBB2_2-.Ltmp0, $4  }
0x61: {  	[sflag:s13] =	ssyncadd.s32 $0xFFFFFFB0  }
0x62: {  	[spmem:s3] =	stream.indirect.scatter.add.f32 [tilespmem:s16], [sflag:$0x1], $0x1, s14, s15, $0xb8;
	[tilespmem:$0x900] =	vst v63  }
0x63: {  	_ =	swait.ge [sflag:s13], $0x50  }
0x64: {  	s22 =	smov.u32 s25;
	[sflag:s13] =	ssyncset.done $0x0  }
0x65: {  	s22 =	sadd.s32 s21, s11;
	[sflag:s13] =	ssyncadd.s32 $0xFFFFFFB0  }
0x66: {  	[tilespmem:s4], [sflag:$0x1] =	stream.linear.gather [hbm4b:s22+s4], $0x50, $0x38;
	[tilespmem:$0x900] =	vst v63  }
0x67: {  	_ =	swait.ge [sflag:s13], $0x50  }
0x68: {  	[sflag:s13] =	ssyncset.done $0x0  }
0x69: {  	s31 =	sadd.s32 s21, s10;
	[sflag:s13] =	ssyncadd.s32 $0xFFFFFFB0  }
0x6a: {  	[tilespmem:s14], [sflag:$0x1] =	stream.linear.gather [hbm4b:s31+s4], $0x50, $0x38;
	[tilespmem:$0x900] =	vst v63  }
0x6b: {  	_ =	swait.ge [sflag:s13], $0x50  }
0x6c: {  	[sflag:s13] =	ssyncset.done $0x0  }
0x6d: {  	[sflag:s13] =	ssyncadd.s32 $0xFFFFFFB0  }
0x6e: {  	[spmem:s2] =	stream.indirect.scatter.add.f32 [tilespmem:s16], [sflag:$0x1], $0x1, s4, s15, $0xb8;
	[tilespmem:$0x900] =	vst v63  }
0x6f: {  	_ =	swait.ge [sflag:s13], $0x50  }
0x70: {  	[sflag:s13] =	ssyncset.done $0x0  }
0x71: {  	[sflag:s13] =	ssyncadd.s32 $0xFFFFFFB0  }
0x72: {  	[spmem:s3] =	stream.indirect.scatter.add.f32 [tilespmem:s16], [sflag:$0x1], $0x1, s14, s15, $0xb8;
	[tilespmem:$0x900] =	vst v63  }
0x73: {  	_ =	swait.ge [sflag:s13], $0x50  }
0x74: {  	[sflag:s13] =	ssyncset.done $0x0  }
0x75: {  	[sflag:s13] =	ssyncadd.s32 $0xFFFFFFB0  }
0x76: {  	[bflag:$0x0] =	sbarrier.arrive $0xFFFF  }
0x77: {  	[hbm:s7], [sflag:s17] =	dma.local [spmem:s18], $0x50  }
0x78: {  	s20 =	sadd.s32 $0x1, s20;
	_ =	swait.ge [sflag:s13], $0x50  }
0x79: {  	p0 =	sne.s32 s20, s9;
	[sflag:s13] =	ssyncset.done $0x0  }
.Ltmp1:
0x7a: {  	[sflag:s13] =	ssyncadd.s32 $0xFFFFFFB0;
	(pc) =	sbr.rel @p0 .LBB2_1-.Ltmp1, $4  }
0x7b: {  	[hbm:s8], [sflag:s17] =	dma.local [spmem:s19], $0x50  }
0x7c: {  	_ =	swait.ge [sflag:s13], $0x50  }
0x7d: {  	[sflag:s13] =	ssyncset.done $0x0  }
0x7e: {  	[sflag:s13] =	ssyncadd.s32 $0xFFFFFFB0  }
0x7f: {  	_ =	sfence.sel $0x180000  }
0x80: {  	[bflag:$0x0] =	sbarrier.arrive $0xFFFF  }
0x81: {  	p0 =	sne.s32 s0, $0x0;
	_ =	strace $0x90000047  }
0x82: {  	s0 =	sadd.s32 @!p0 $0x100000, s1;
	[bflag:$0x2] =	sbarrier.arrive $0xFFFF  }
0x83: {  	[sflag:s0] =	ssyncadd.tile.s32 @!p0 $0x1;
	_ =	shalt  }
.Lfunc_end2:
_tile_overlayer_lowered:
.L_overlay_start_2:
0x84: {  	(tag) =	ssettag $0x2  }
0x85: {  	s0 =	rddreg [dreg:$0x0];
	s2 =	stileid.u32  }
0x86: {  	s1 =	rddreg [dreg:$0x1];
	p0 =	sne.s32 s2, $0x0  }
0x87: {  	s3 =	rddreg [dreg:$0x2];
	[bflag:$0x3] =	sbarrier.arrive $0xFFFF;
	s2 =	simm.s32 @!p0 $0x1C01  }
0x88: {  	[timem:s3], [sflag:s2] =	dma.local @!p0 [hbm:s0], s1  }
0x89: {  	s0 =	simm.s32 @!p0 $0x1  }
0x8a: {  	_ =	swait.ge @!p0 [sflag:s0], s1  }
0x8b: {  	s1 =	ssub.s32 @!p0 $0x0, s1;
	[sflag:s0] =	ssyncset.done @!p0 $0x0  }
0x8c: {  	[sflag:s0] =	ssyncadd.s32 @!p0 s1  }
0x8d: {  	[bflag:$0x3] =	sbarrier.arrive $0xFFFF  }
0x8e: {  	_ =	shalt  }

</sc_bundles>
